<compile_context>
chip_gen: v7x
topology: tpu7x:2x2x1
jax: 0.10.2.dev20260603
libtpu: 0.0.44.dev20260713+nightly
codegen_flags: <defaults>
</compile_context>

<pallas_src>
import functools

import jax
import jax.numpy as jnp
from jax import lax
from jax.experimental import pallas as pl
from jax.experimental.pallas import tpu as pltpu
from jax.experimental.pallas import tpu_sc as plsc

NC = 2
NS = 16
NW = NC * NS
LANES = 16
K = 40
SB = 50
RD = 5


def _sc_segment_sum(T, N, D, E, C):
    DR_TILES = 10
    RT = N // DR_TILES
    CNT_R = N // DR_TILES
    NB = C // SB
    assert C % SB == 0 and SB % RD == 0
    KP = -(-K // LANES) * LANES

    mesh = plsc.VectorSubcoreMesh(
        core_axis_name="c", subcore_axis_name="s",
        num_cores=NC, num_subcores=NS)

    @functools.partial(
        pl.kernel,
        out_type=[
            jax.ShapeDtypeStruct((NC, T, N, D), jnp.float32),
            jax.ShapeDtypeStruct((NC, DR_TILES, 1, CNT_R), jnp.float32),
        ],
        mesh=mesh,
        scratch_types=[
            pltpu.VMEM((SB, K), jnp.int32),
            pltpu.VMEM((SB, K), jnp.int32),
            pltpu.VMEM((K, D), jnp.float32),
            pltpu.VMEM((K, D), jnp.float32),
            pltpu.VMEM((K, D), jnp.float32),
            pltpu.VMEM((K, D), jnp.float32),
            pltpu.VMEM((K, D), jnp.float32),
            pltpu.VMEM((KP,), jnp.float32),
            pltpu.VMEM((1, N // 10), jnp.float32),
            pltpu.VMEM_SHARED((N, D), jnp.float32),
            pltpu.VMEM_SHARED((N,), jnp.float32),
            pltpu.SemaphoreType.DMA,
            pltpu.SemaphoreType.DMA,
        ],
    )
    def sc_kernel(srcx_hbm, dst_hbm, x_hbm, z2d_hbm,
                  osum_hbm, ocnt_hbm,
                  src_v, dst_v, rb0, rb1, rb2, rb3, rb4, ones_v, cbuf_v,
                  acc_s, cnt_s, sem0, sem1):
        c = lax.axis_index("c")
        s = lax.axis_index("s")
        wid = s * NC + c

        ones16 = jnp.ones((LANES,), jnp.float32)
        zero16 = jnp.zeros((LANES,), jnp.float32)

        def init_ones(i, carry):
            ones_v[pl.ds(i * LANES, LANES)] = ones16
            return carry
        lax.fori_loop(0, KP // LANES, init_ones, 0)

        def init_cbuf(i, carry):
            cbuf_v[0, pl.ds(i * LANES, LANES)] = zero16
            return carry
        lax.fori_loop(0, CNT_R // LANES, init_cbuf, 0)

        @pl.when(s < DR_TILES)
        def _zero_cnt():
            pltpu.sync_copy(cbuf_v.at[0], cnt_s.at[pl.ds(s * CNT_R, CNT_R)])

        plsc.subcore_barrier()

        def cnt_block(b, carry):
            pltpu.sync_copy(dst_hbm.at[wid * NB + b], dst_v)

            def cnt_chunk(j, carry2):
                pltpu.sync_copy(ones_v.at[pl.ds(0, K)],
                                cnt_s.at[dst_v.at[j]], add=True)
                return carry2
            lax.fori_loop(0, SB, cnt_chunk, 0)
            return carry
        lax.fori_loop(0, NB, cnt_block, 0)

        plsc.subcore_barrier()

        @pl.when(s < DR_TILES)
        def _drain_cnt():
            pltpu.sync_copy(cnt_s.at[pl.ds(s * CNT_R, CNT_R)], cbuf_v.at[0])
            pltpu.sync_copy(cbuf_v, ocnt_hbm.at[c, s])

        def t_body(t, carry):
            @pl.when(s < DR_TILES)
            def _zero_acc():
                pltpu.sync_copy(z2d_hbm, acc_s.at[pl.ds(s * RT, RT)])
            plsc.subcore_barrier()

            def block(b, carry2):
                g = (t * NW + wid) * NB + b
                pltpu.sync_copy(srcx_hbm.at[g], src_v)
                pltpu.sync_copy(dst_hbm.at[wid * NB + b], dst_v)

                rbs = (rb0, rb1, rb2, rb3, rb4)

                def group(gi, carry3):
                    j0 = gi * RD
                    for r in range(RD):
                        pltpu.async_copy(
                            x_hbm.at[src_v.at[j0 + r]], rbs[r], sem0)
                    for r in range(RD):
                        pltpu.make_async_copy(
                            x_hbm.at[pl.ds(0, K)], rbs[r], sem0).wait()
                    for r in range(RD):
                        pltpu.sync_copy(rbs[r], acc_s.at[dst_v.at[j0 + r]],
                                        add=True)
                    return carry3
                lax.fori_loop(0, SB // RD, group, 0)
                return carry2
            lax.fori_loop(0, NB, block, 0)

            plsc.subcore_barrier()

            @pl.when(s < DR_TILES)
            def _drain_acc():
                r0 = s * RT
                pltpu.sync_copy(acc_s.at[pl.ds(r0, RT)],
                                osum_hbm.at[c, t, pl.ds(r0, RT)])
            return carry

        lax.fori_loop(0, T, t_body, 0)

    return sc_kernel


def _tc_finish(T, N, D, BN):
    grid = (T, N // BN)

    def body(cnt_ref, p_ref, x_ref, wl_ref, bl_ref, wr_ref, o_ref):
        cnt = cnt_ref[:, 0] + cnt_ref[:, 1]
        ssum = p_ref[0, 0] + p_ref[1, 0]
        mean = ssum / jnp.clip(cnt, 1.0, None)[:, None]
        h = (jnp.dot(mean, wl_ref[...], preferred_element_type=jnp.float32)
             + jnp.dot(x_ref[0], wr_ref[...],
                       preferred_element_type=jnp.float32)
             + bl_ref[0][None, :])
        o_ref[0] = h * 0.5 * (1.0 + lax.erf(h * 0.7071067811865476))

    return pl.pallas_call(
        body,
        grid=grid,
        in_specs=[
            pl.BlockSpec((BN, NC), lambda t, n: (n, 0)),
            pl.BlockSpec((NC, 1, BN, D), lambda t, n: (0, t, n, 0)),
            pl.BlockSpec((1, BN, D), lambda t, n: (t, n, 0)),
            pl.BlockSpec((D, D), lambda t, n: (0, 0)),
            pl.BlockSpec((1, D), lambda t, n: (0, 0)),
            pl.BlockSpec((D, D), lambda t, n: (0, 0)),
        ],
        out_specs=pl.BlockSpec((1, BN, D), lambda t, n: (t, n, 0)),
        out_shape=jax.ShapeDtypeStruct((T, N, D), jnp.float32),
    )


@jax.jit
def kernel(x, edge_index, W_l, b_l, W_r):
    T, N, D = x.shape
    E = edge_index.shape[1]
    assert E % NW == 0 and (E // NW) % K == 0
    C = E // NW // K
    NB = C // SB

    src = edge_index[0].reshape(1, NW, NB, SB, K)
    offs = (jnp.arange(T, dtype=jnp.int32) * N).reshape(T, 1, 1, 1, 1)
    srcx = (src + offs).reshape(T * NW * NB, SB, K)
    dst = edge_index[1].reshape(NW * NB, SB, K)
    x_flat = x.reshape(T * N, D)
    RT = N // 10
    z2d = jnp.zeros((RT, D), jnp.float32)

    osum, ocnt = _sc_segment_sum(T, N, D, E, C)(srcx, dst, x_flat, z2d)
    out = _tc_finish(T, N, D, 2000)(ocnt.reshape(NC, N).T, osum, x, W_l,
                                    b_l.reshape(1, D), W_r)
    return out

# --- scband reference (transcript-rebuilt; emitter-appended) ---
"""Pipeline reference for scband-spatial-gnnwrapper-30236569764344 (READ-ONLY COPY).

The authoritative reference and input builder live on the scoring server;
editing this copy changes nothing except your own understanding.
"""

import jax, jax.numpy as jnp
import numpy as np

T, N, D_IN, D_OUT, E = 8, 10000, 128, 128, 320000


def setup_inputs(seed: int = 0) -> dict:
    key = jax.random.key(seed)
    k1, k2, k3, k4, k5 = jax.random.split(key, 5)
    x = jax.random.normal(k1, (T, N, D_IN), dtype=jnp.float32)
    edge_index = jax.random.randint(k2, (2, E), 0, N, dtype=jnp.int32)
    # SAGEConv params: lin_l (applied to aggregated neighbors, with bias), lin_r (applied to root, no bias)
    scale = 1.0 / np.sqrt(D_IN)
    W_l = jax.random.uniform(k3, (D_IN, D_OUT), dtype=jnp.float32, minval=-scale, maxval=scale)
    b_l = jax.random.uniform(k4, (D_OUT,), dtype=jnp.float32, minval=-scale, maxval=scale)
    W_r = jax.random.uniform(k5, (D_IN, D_OUT), dtype=jnp.float32, minval=-scale, maxval=scale)
    return {"x": x, "edge_index": edge_index, "W_l": W_l, "b_l": b_l, "W_r": W_r}


def reference(x, edge_index, W_l, b_l, W_r):
    T_, N_, d = x.shape
    x_flat = x.reshape(T_ * N_, d)
    # expand edge_index across time steps: [edge_index + t*N for t in range(T)] concatenated along dim 1
    offsets = (jnp.arange(T_, dtype=edge_index.dtype) * N_)
    ei = (edge_index[:, None, :] + offsets[None, :, None]).reshape(2, T_ * edge_index.shape[1])
    src, dst = ei[0], ei[1]
    # SAGEConv mean aggregation: gather source features, scatter-mean onto destinations
    msgs = x_flat[src]
    summed = jax.ops.segment_sum(msgs, dst, num_segments=T_ * N_)
    counts = jax.ops.segment_sum(jnp.ones((src.shape[0],), dtype=jnp.float32), dst, num_segments=T_ * N_)
    mean_aggr = summed / jnp.clip(counts, 1.0, None)[:, None]
    out = mean_aggr @ W_l + b_l + x_flat @ W_r
    out = jax.nn.gelu(out, approximate=False)
    return out.reshape(T_, N_, -1)

if __name__ == "__main__":
    import jax
    _d = setup_inputs()
    print(jax.jit(kernel)(*tuple(_d.values())))

</pallas_src>

<mosaic_0001>
#map = affine_map<(d0, d1) -> (0, 0, 0)>
#map1 = affine_map<(d0, d1) -> (0, 0)>
#map2 = affine_map<(d0, d1) -> (0, 0, 0, 0)>
module attributes {stable_mosaic.version = 14 : i64} {
  func.func @sc_kernel(%arg0: i32, %arg1: i32, %arg2: memref<1280x50x40xi32, #tpu.memory_space<hbm>>, %arg3: memref<160x50x40xi32, #tpu.memory_space<hbm>>, %arg4: memref<80000x128xf32, #tpu.memory_space<hbm>>, %arg5: memref<1000x128xf32, #tpu.memory_space<hbm>>, %arg6: memref<2x8x10000x128xf32, #tpu.memory_space<hbm>>, %arg7: memref<2x10x1x1000xf32, #tpu.memory_space<hbm>>, %arg8: memref<50x40xi32, #tpu.memory_space<vmem>>, %arg9: memref<50x40xi32, #tpu.memory_space<vmem>>, %arg10: memref<40x128xf32, #tpu.memory_space<vmem>>, %arg11: memref<40x128xf32, #tpu.memory_space<vmem>>, %arg12: memref<40x128xf32, #tpu.memory_space<vmem>>, %arg13: memref<40x128xf32, #tpu.memory_space<vmem>>, %arg14: memref<40x128xf32, #tpu.memory_space<vmem>>, %arg15: memref<48xf32, #tpu.memory_space<vmem>>, %arg16: memref<1x1000xf32, #tpu.memory_space<vmem>>, %arg17: memref<10000x128xf32, #tpu.memory_space<vmem_shared>>, %arg18: memref<10000xf32, #tpu.memory_space<vmem_shared>>, %arg19: memref<!tpu.dma_semaphore, #tpu.memory_space<semaphore_mem>>, %arg20: memref<!tpu.dma_semaphore, #tpu.memory_space<semaphore_mem>>) attributes {dimension_semantics = [#tpu.dimension_semantics<core_parallel>, #tpu.dimension_semantics<subcore_parallel>], iteration_bounds = array<i64: 2, 16>, scalar_prefetch = 0 : i64, scratch_operands = 13 : i64, tpu.core_type = #tpu.core_type<sc_vector_subcore>, window_params = [{transform_indices = #map}, {transform_indices = #map}, {transform_indices = #map1}, {transform_indices = #map1}, {transform_indices = #map2}, {transform_indices = #map2}]} {
    %mul3A = arith.constant 2 : i32
    %mul3A_0 = arith.muli %arg1, %mul3A : i32
    %add3A = arith.addi %mul3A_0, %arg0 : i32
    %broadcast_in_dim3A = arith.constant 1.000000e+00 : f32
    %broadcast_in_dim3A_1 = vector.broadcast %broadcast_in_dim3A : f32 to vector<16xf32>
    %broadcast_in_dim3A_2 = arith.constant 0.000000e+00 : f32
    %broadcast_in_dim3A_3 = vector.broadcast %broadcast_in_dim3A_2 : f32 to vector<16xf32>
    %scan3A = arith.constant 0 : i32
    %scan3A_4 = arith.constant 0 : i32
    %scan3A_5 = arith.constant 3 : i32
    %scan3A_6 = arith.addi %scan3A_4, %scan3A_5 : i32
    %scan3A_7 = arith.constant 1 : i32
    scf.for %scan3A_35 = %scan3A_4 to %scan3A_6 step %scan3A_7  : i32 {
      %mul3A_36 = arith.constant 16 : i32
      %mul3A_37 = arith.muli %scan3A_35, %mul3A_36 : i32
      %swap3A = arith.index_cast %mul3A_37 : i32 to index
      %swap3A_38 = tpu.vector_load %arg15[%swap3A] {strides = array<i32>} : memref<48xf32, #tpu.memory_space<vmem>>, vector<16xf32>,
      %swap3A_39 = vector.shape_cast %swap3A_38 : vector<16xf32> to vector<16xf32>
      %swap3A_40 = vector.shape_cast %broadcast_in_dim3A_1 : vector<16xf32> to vector<16xf32>
      tpu.vector_store %arg15[%swap3A], %swap3A_40 {strides = array<i32>} : memref<48xf32, #tpu.memory_space<vmem>>, vector<16xf32>,
    }
    %scan3A_8 = arith.constant 3 : i32
    %scan3A_9 = arith.constant 0 : i32
    %scan3A_10 = arith.constant 0 : i32
    %scan3A_11 = arith.constant 62 : i32
    %scan3A_12 = arith.addi %scan3A_10, %scan3A_11 : i32
    %scan3A_13 = arith.constant 1 : i32
    scf.for %scan3A_35 = %scan3A_10 to %scan3A_12 step %scan3A_13  : i32 {
      %mul3A_36 = arith.constant 16 : i32
      %mul3A_37 = arith.muli %scan3A_35, %mul3A_36 : i32
      %swap3A = arith.constant 0 : i32
      %swap3A_38 = arith.index_cast %swap3A : i32 to index
      %swap3A_39 = arith.index_cast %mul3A_37 : i32 to index
      %swap3A_40 = tpu.vector_load %arg16[%swap3A_38, %swap3A_39] {strides = array<i32>} : memref<1x1000xf32, #tpu.memory_space<vmem>>, vector<1x16xf32>,
      %swap3A_41 = vector.shape_cast %swap3A_40 : vector<1x16xf32> to vector<16xf32>
      %swap3A_42 = vector.shape_cast %broadcast_in_dim3A_3 : vector<16xf32> to vector<1x16xf32>
      tpu.vector_store %arg16[%swap3A_38, %swap3A_39], %swap3A_42 {strides = array<i32>} : memref<1x1000xf32, #tpu.memory_space<vmem>>, vector<1x16xf32>,
    }
    %scan3A_14 = arith.constant 62 : i32
    %lt3A = arith.constant 10 : i32
    %lt3A_15 = arith.cmpi slt, %arg1, %lt3A : i32
    %convert_element_type3A = arith.extui %lt3A_15 : i1 to i32
    %cond3A = arith.constant 0 : i32
    %cond3A_16 = arith.cmpi ne, %convert_element_type3A, %cond3A : i32
    scf.if %cond3A_16 {
      %mul3A_35 = arith.constant 1000 : i32
      %mul3A_36 = arith.muli %arg1, %mul3A_35 : i32
      %run_scoped3A = arith.constant 0 : i32
      "tpu.region"() ({
        %run_scoped3A_37 = tpu.sem_alloc : memref<!tpu.dma_semaphore, #tpu.memory_space<semaphore_mem>>
        %dma_start3A = arith.constant 0 : i32
        %dma_start3A_38 = tpu.memref_slice %arg16[%run_scoped3A, %dma_start3A] : memref<1x1000xf32, #tpu.memory_space<vmem>> -> memref<1x1000xf32, #tpu.memory_space<vmem>>
        %dma_start3A_39 = tpu.memref_squeeze %dma_start3A_38 : memref<1x1000xf32, #tpu.memory_space<vmem>> -> memref<1000xf32, #tpu.memory_space<vmem>>
        %dma_start3A_40 = tpu.memref_slice %arg18[%mul3A_36] : memref<10000xf32, #tpu.memory_space<vmem_shared>> -> memref<1000xf32, #tpu.memory_space<vmem_shared>>
        %dma_start3A_41 = tpu.memref_slice %arg18[%mul3A_36] : memref<10000xf32, #tpu.memory_space<vmem_shared>> -> memref<1000xf32, #tpu.memory_space<vmem_shared>>
        %dma_start3A_42 = arith.constant 0 : i32
        %dma_start3A_43 = tpu.memref_slice %arg16[%run_scoped3A, %dma_start3A_42] : memref<1x1000xf32, #tpu.memory_space<vmem>> -> memref<1x1000xf32, #tpu.memory_space<vmem>>
        %dma_start3A_44 = tpu.memref_squeeze %dma_start3A_43 : memref<1x1000xf32, #tpu.memory_space<vmem>> -> memref<1000xf32, #tpu.memory_space<vmem>>
        tpu.enqueue_dma source(%dma_start3A_44 : memref<1000xf32, #tpu.memory_space<vmem>>) target(%dma_start3A_41 : memref<1000xf32, #tpu.memory_space<vmem_shared>>) target_semaphore(%run_scoped3A_37 : memref<!tpu.dma_semaphore, #tpu.memory_space<semaphore_mem>>)
        %dma_wait3A = arith.constant 0 : i32
        %dma_wait3A_45 = tpu.memref_slice %arg16[%run_scoped3A, %dma_wait3A] : memref<1x1000xf32, #tpu.memory_space<vmem>> -> memref<1x1000xf32, #tpu.memory_space<vmem>>
        %dma_wait3A_46 = tpu.memref_squeeze %dma_wait3A_45 : memref<1x1000xf32, #tpu.memory_space<vmem>> -> memref<1000xf32, #tpu.memory_space<vmem>>
        %dma_wait3A_47 = tpu.memref_slice %arg18[%mul3A_36] : memref<10000xf32, #tpu.memory_space<vmem_shared>> -> memref<1000xf32, #tpu.memory_space<vmem_shared>>
        %dma_wait3A_48 = tpu.memref_slice %arg18[%mul3A_36] : memref<10000xf32, #tpu.memory_space<vmem_shared>> -> memref<1000xf32, #tpu.memory_space<vmem_shared>>
        %dma_wait3A_49 = arith.constant 0 : i32
        %dma_wait3A_50 = tpu.memref_slice %arg16[%run_scoped3A, %dma_wait3A_49] : memref<1x1000xf32, #tpu.memory_space<vmem>> -> memref<1x1000xf32, #tpu.memory_space<vmem>>
        %dma_wait3A_51 = tpu.memref_squeeze %dma_wait3A_50 : memref<1x1000xf32, #tpu.memory_space<vmem>> -> memref<1000xf32, #tpu.memory_space<vmem>>
        tpu.wait_dma2 semaphore(%run_scoped3A_37 : memref<!tpu.dma_semaphore, #tpu.memory_space<semaphore_mem>>) src(%dma_wait3A_51 : memref<1000xf32, #tpu.memory_space<vmem>>) dst(%dma_wait3A_48 : memref<1000xf32, #tpu.memory_space<vmem_shared>>)
        tpu.yield
      }) : () -> ()
    } else {
    }
    %barrier3A = arith.constant 0 : index
    tpu.barrier barrier_id(%barrier3A)
    %scan3A_17 = arith.constant 0 : i32
    %scan3A_18 = arith.constant 0 : i32
    %scan3A_19 = arith.constant 5 : i32
    %scan3A_20 = arith.addi %scan3A_18, %scan3A_19 : i32
    %scan3A_21 = arith.constant 1 : i32
    scf.for %scan3A_35 = %scan3A_18 to %scan3A_20 step %scan3A_21  : i32 {
      %mul3A_36 = arith.constant 5 : i32
      %mul3A_37 = arith.muli %add3A, %mul3A_36 : i32
      %add3A_38 = arith.addi %mul3A_37, %scan3A_35 : i32
      "tpu.region"() ({
        %run_scoped3A = tpu.sem_alloc : memref<!tpu.dma_semaphore, #tpu.memory_space<semaphore_mem>>
        %dma_start3A = arith.constant 0 : i32
        %dma_start3A_45 = arith.constant 0 : i32
        %dma_start3A_46 = tpu.memref_slice %arg3[%add3A_38, %dma_start3A, %dma_start3A_45] : memref<160x50x40xi32, #tpu.memory_space<hbm>> -> memref<1x50x40xi32, #tpu.memory_space<hbm>>
        %dma_start3A_47 = tpu.memref_squeeze %dma_start3A_46 : memref<1x50x40xi32, #tpu.memory_space<hbm>> -> memref<50x40xi32, #tpu.memory_space<hbm>>
        %dma_start3A_48 = arith.constant 0 : i32
        %dma_start3A_49 = arith.constant 0 : i32
        %dma_start3A_50 = tpu.memref_slice %arg3[%add3A_38, %dma_start3A_48, %dma_start3A_49] : memref<160x50x40xi32, #tpu.memory_space<hbm>> -> memref<1x50x40xi32, #tpu.memory_space<hbm>>
        %dma_start3A_51 = tpu.memref_squeeze %dma_start3A_50 : memref<1x50x40xi32, #tpu.memory_space<hbm>> -> memref<50x40xi32, #tpu.memory_space<hbm>>
        tpu.enqueue_dma source(%dma_start3A_51 : memref<50x40xi32, #tpu.memory_space<hbm>>) target(%arg9 : memref<50x40xi32, #tpu.memory_space<vmem>>) target_semaphore(%run_scoped3A : memref<!tpu.dma_semaphore, #tpu.memory_space<semaphore_mem>>)
        %dma_wait3A = arith.constant 0 : i32
        %dma_wait3A_52 = arith.constant 0 : i32
        %dma_wait3A_53 = tpu.memref_slice %arg3[%add3A_38, %dma_wait3A, %dma_wait3A_52] : memref<160x50x40xi32, #tpu.memory_space<hbm>> -> memref<1x50x40xi32, #tpu.memory_space<hbm>>
        %dma_wait3A_54 = tpu.memref_squeeze %dma_wait3A_53 : memref<1x50x40xi32, #tpu.memory_space<hbm>> -> memref<50x40xi32, #tpu.memory_space<hbm>>
        %dma_wait3A_55 = arith.constant 0 : i32
        %dma_wait3A_56 = arith.constant 0 : i32
        %dma_wait3A_57 = tpu.memref_slice %arg3[%add3A_38, %dma_wait3A_55, %dma_wait3A_56] : memref<160x50x40xi32, #tpu.memory_space<hbm>> -> memref<1x50x40xi32, #tpu.memory_space<hbm>>
        %dma_wait3A_58 = tpu.memref_squeeze %dma_wait3A_57 : memref<1x50x40xi32, #tpu.memory_space<hbm>> -> memref<50x40xi32, #tpu.memory_space<hbm>>
        tpu.wait_dma2 semaphore(%run_scoped3A : memref<!tpu.dma_semaphore, #tpu.memory_space<semaphore_mem>>) src(%dma_wait3A_58 : memref<50x40xi32, #tpu.memory_space<hbm>>) dst(%arg9 : memref<50x40xi32, #tpu.memory_space<vmem>>)
        tpu.yield
      }) : () -> ()
      %scan3A_39 = arith.constant 0 : i32
      %scan3A_40 = arith.constant 0 : i32
      %scan3A_41 = arith.constant 50 : i32
      %scan3A_42 = arith.addi %scan3A_40, %scan3A_41 : i32
      %scan3A_43 = arith.constant 1 : i32
      scf.for %scan3A_45 = %scan3A_40 to %scan3A_42 step %scan3A_43  : i32 {
        "tpu.region"() ({
          %run_scoped3A = tpu.sem_alloc : memref<!tpu.dma_semaphore, #tpu.memory_space<semaphore_mem>>
          %dma_start3A = arith.constant 0 : i32
          %dma_start3A_46 = tpu.memref_slice %arg15[%dma_start3A] : memref<48xf32, #tpu.memory_space<vmem>> -> memref<40xf32, #tpu.memory_space<vmem>>
          %dma_start3A_47 = arith.constant 0 : i32
          %dma_start3A_48 = tpu.memref_slice %arg9[%scan3A_45, %dma_start3A_47] : memref<50x40xi32, #tpu.memory_space<vmem>> -> memref<1x40xi32, #tpu.memory_space<vmem>>
          %dma_start3A_49 = tpu.memref_squeeze %dma_start3A_48 : memref<1x40xi32, #tpu.memory_space<vmem>> -> memref<40xi32, #tpu.memory_space<vmem>>
          %dma_start3A_50 = arith.constant 0 : i32
          %dma_start3A_51 = tpu.memref_slice %arg18[%dma_start3A_50] : memref<10000xf32, #tpu.memory_space<vmem_shared>> -> memref<10000xf32, #tpu.memory_space<vmem_shared>>
          tpu.enqueue_indirect_dma source(%dma_start3A_46 : memref<40xf32, #tpu.memory_space<vmem>>) target(%dma_start3A_51 : memref<10000xf32, #tpu.memory_space<vmem_shared>>) offsets(%dma_start3A_49 : memref<40xi32, #tpu.memory_space<vmem>>) semaphore(%run_scoped3A : memref<!tpu.dma_semaphore, #tpu.memory_space<semaphore_mem>>) {add = true}
          %dma_wait3A = arith.constant 0 : i32
          %dma_wait3A_52 = tpu.memref_slice %arg15[%dma_wait3A] : memref<48xf32, #tpu.memory_space<vmem>> -> memref<40xf32, #tpu.memory_space<vmem>>
          %dma_wait3A_53 = arith.constant 0 : i32
          %dma_wait3A_54 = tpu.memref_slice %arg9[%scan3A_45, %dma_wait3A_53] : memref<50x40xi32, #tpu.memory_space<vmem>> -> memref<1x40xi32, #tpu.memory_space<vmem>>
          %dma_wait3A_55 = tpu.memref_squeeze %dma_wait3A_54 : memref<1x40xi32, #tpu.memory_space<vmem>> -> memref<40xi32, #tpu.memory_space<vmem>>
          %dma_wait3A_56 = arith.constant 0 : i32
          %dma_wait3A_57 = tpu.memref_slice %arg18[%dma_wait3A_56] : memref<10000xf32, #tpu.memory_space<vmem_shared>> -> memref<10000xf32, #tpu.memory_space<vmem_shared>>
          tpu.wait_indirect_dma semaphore(%run_scoped3A : memref<!tpu.dma_semaphore, #tpu.memory_space<semaphore_mem>>) src(%dma_wait3A_52 : memref<40xf32, #tpu.memory_space<vmem>>) dst(%dma_wait3A_57 : memref<10000xf32, #tpu.memory_space<vmem_shared>>)
          tpu.yield
        }) : () -> ()
      }
      %scan3A_44 = arith.constant 50 : i32
    }
    %scan3A_22 = arith.constant 5 : i32
    %barrier3A_23 = arith.constant 0 : index
    tpu.barrier barrier_id(%barrier3A_23)
    %lt3A_24 = arith.constant 10 : i32
    %lt3A_25 = arith.cmpi slt, %arg1, %lt3A_24 : i32
    %convert_element_type3A_26 = arith.extui %lt3A_25 : i1 to i32
    %cond3A_27 = arith.constant 0 : i32
    %cond3A_28 = arith.cmpi ne, %convert_element_type3A_26, %cond3A_27 : i32
    scf.if %cond3A_28 {
      %mul3A_35 = arith.constant 1000 : i32
      %mul3A_36 = arith.muli %arg1, %mul3A_35 : i32
      %run_scoped3A = arith.constant 0 : i32
      "tpu.region"() ({
        %run_scoped3A_37 = tpu.sem_alloc : memref<!tpu.dma_semaphore, #tpu.memory_space<semaphore_mem>>
        %dma_start3A = arith.constant 0 : i32
        %dma_start3A_38 = tpu.memref_slice %arg16[%run_scoped3A, %dma_start3A] : memref<1x1000xf32, #tpu.memory_space<vmem>> -> memref<1x1000xf32, #tpu.memory_space<vmem>>
        %dma_start3A_39 = tpu.memref_squeeze %dma_start3A_38 : memref<1x1000xf32, #tpu.memory_space<vmem>> -> memref<1000xf32, #tpu.memory_space<vmem>>
        %dma_start3A_40 = tpu.memref_slice %arg18[%mul3A_36] : memref<10000xf32, #tpu.memory_space<vmem_shared>> -> memref<1000xf32, #tpu.memory_space<vmem_shared>>
        %dma_start3A_41 = arith.constant 0 : i32
        %dma_start3A_42 = tpu.memref_slice %arg16[%run_scoped3A, %dma_start3A_41] : memref<1x1000xf32, #tpu.memory_space<vmem>> -> memref<1x1000xf32, #tpu.memory_space<vmem>>
        %dma_start3A_43 = tpu.memref_squeeze %dma_start3A_42 : memref<1x1000xf32, #tpu.memory_space<vmem>> -> memref<1000xf32, #tpu.memory_space<vmem>>
        %dma_start3A_44 = tpu.memref_slice %arg18[%mul3A_36] : memref<10000xf32, #tpu.memory_space<vmem_shared>> -> memref<1000xf32, #tpu.memory_space<vmem_shared>>
        tpu.enqueue_dma source(%dma_start3A_44 : memref<1000xf32, #tpu.memory_space<vmem_shared>>) target(%dma_start3A_43 : memref<1000xf32, #tpu.memory_space<vmem>>) target_semaphore(%run_scoped3A_37 : memref<!tpu.dma_semaphore, #tpu.memory_space<semaphore_mem>>)
        %dma_wait3A = arith.constant 0 : i32
        %dma_wait3A_45 = tpu.memref_slice %arg16[%run_scoped3A, %dma_wait3A] : memref<1x1000xf32, #tpu.memory_space<vmem>> -> memref<1x1000xf32, #tpu.memory_space<vmem>>
        %dma_wait3A_46 = tpu.memref_squeeze %dma_wait3A_45 : memref<1x1000xf32, #tpu.memory_space<vmem>> -> memref<1000xf32, #tpu.memory_space<vmem>>
        %dma_wait3A_47 = tpu.memref_slice %arg18[%mul3A_36] : memref<10000xf32, #tpu.memory_space<vmem_shared>> -> memref<1000xf32, #tpu.memory_space<vmem_shared>>
        %dma_wait3A_48 = arith.constant 0 : i32
        %dma_wait3A_49 = tpu.memref_slice %arg16[%run_scoped3A, %dma_wait3A_48] : memref<1x1000xf32, #tpu.memory_space<vmem>> -> memref<1x1000xf32, #tpu.memory_space<vmem>>
        %dma_wait3A_50 = tpu.memref_squeeze %dma_wait3A_49 : memref<1x1000xf32, #tpu.memory_space<vmem>> -> memref<1000xf32, #tpu.memory_space<vmem>>
        %dma_wait3A_51 = tpu.memref_slice %arg18[%mul3A_36] : memref<10000xf32, #tpu.memory_space<vmem_shared>> -> memref<1000xf32, #tpu.memory_space<vmem_shared>>
        tpu.wait_dma2 semaphore(%run_scoped3A_37 : memref<!tpu.dma_semaphore, #tpu.memory_space<semaphore_mem>>) src(%dma_wait3A_51 : memref<1000xf32, #tpu.memory_space<vmem_shared>>) dst(%dma_wait3A_50 : memref<1000xf32, #tpu.memory_space<vmem>>)
        tpu.yield
      }) : () -> ()
      "tpu.region"() ({
        %run_scoped3A_37 = tpu.sem_alloc : memref<!tpu.dma_semaphore, #tpu.memory_space<semaphore_mem>>
        %dma_start3A = arith.constant 0 : i32
        %dma_start3A_38 = arith.constant 0 : i32
        %dma_start3A_39 = tpu.memref_slice %arg7[%arg0, %arg1, %dma_start3A, %dma_start3A_38] : memref<2x10x1x1000xf32, #tpu.memory_space<hbm>> -> memref<1x1x1x1000xf32, #tpu.memory_space<hbm>>
        %dma_start3A_40 = tpu.memref_squeeze %dma_start3A_39 : memref<1x1x1x1000xf32, #tpu.memory_space<hbm>> -> memref<1x1000xf32, #tpu.memory_space<hbm>>
        %dma_start3A_41 = arith.constant 0 : i32
        %dma_start3A_42 = arith.constant 0 : i32
        %dma_start3A_43 = tpu.memref_slice %arg7[%arg0, %arg1, %dma_start3A_41, %dma_start3A_42] : memref<2x10x1x1000xf32, #tpu.memory_space<hbm>> -> memref<1x1x1x1000xf32, #tpu.memory_space<hbm>>
        %dma_start3A_44 = tpu.memref_squeeze %dma_start3A_43 : memref<1x1x1x1000xf32, #tpu.memory_space<hbm>> -> memref<1x1000xf32, #tpu.memory_space<hbm>>
        tpu.enqueue_dma source(%arg16 : memref<1x1000xf32, #tpu.memory_space<vmem>>) target(%dma_start3A_44 : memref<1x1000xf32, #tpu.memory_space<hbm>>) target_semaphore(%run_scoped3A_37 : memref<!tpu.dma_semaphore, #tpu.memory_space<semaphore_mem>>)
        %dma_wait3A = arith.constant 0 : i32
        %dma_wait3A_45 = arith.constant 0 : i32
        %dma_wait3A_46 = tpu.memref_slice %arg7[%arg0, %arg1, %dma_wait3A, %dma_wait3A_45] : memref<2x10x1x1000xf32, #tpu.memory_space<hbm>> -> memref<1x1x1x1000xf32, #tpu.memory_space<hbm>>
        %dma_wait3A_47 = tpu.memref_squeeze %dma_wait3A_46 : memref<1x1x1x1000xf32, #tpu.memory_space<hbm>> -> memref<1x1000xf32, #tpu.memory_space<hbm>>
        %dma_wait3A_48 = arith.constant 0 : i32
        %dma_wait3A_49 = arith.constant 0 : i32
        %dma_wait3A_50 = tpu.memref_slice %arg7[%arg0, %arg1, %dma_wait3A_48, %dma_wait3A_49] : memref<2x10x1x1000xf32, #tpu.memory_space<hbm>> -> memref<1x1x1x1000xf32, #tpu.memory_space<hbm>>
        %dma_wait3A_51 = tpu.memref_squeeze %dma_wait3A_50 : memref<1x1x1x1000xf32, #tpu.memory_space<hbm>> -> memref<1x1000xf32, #tpu.memory_space<hbm>>
        tpu.wait_dma2 semaphore(%run_scoped3A_37 : memref<!tpu.dma_semaphore, #tpu.memory_space<semaphore_mem>>) src(%arg16 : memref<1x1000xf32, #tpu.memory_space<vmem>>) dst(%dma_wait3A_51 : memref<1x1000xf32, #tpu.memory_space<hbm>>)
        tpu.yield
      }) : () -> ()
    } else {
    }
    %scan3A_29 = arith.constant 0 : i32
    %scan3A_30 = arith.constant 0 : i32
    %scan3A_31 = arith.constant 8 : i32
    %scan3A_32 = arith.addi %scan3A_30, %scan3A_31 : i32
    %scan3A_33 = arith.constant 1 : i32
    scf.for %scan3A_35 = %scan3A_30 to %scan3A_32 step %scan3A_33  : i32 {
      %lt3A_36 = arith.constant 10 : i32
      %lt3A_37 = arith.cmpi slt, %arg1, %lt3A_36 : i32
      %convert_element_type3A_38 = arith.extui %lt3A_37 : i1 to i32
      %cond3A_39 = arith.constant 0 : i32
      %cond3A_40 = arith.cmpi ne, %convert_element_type3A_38, %cond3A_39 : i32
      scf.if %cond3A_40 {
        %mul3A_54 = arith.constant 1000 : i32
        %mul3A_55 = arith.muli %arg1, %mul3A_54 : i32
        "tpu.region"() ({
          %run_scoped3A = tpu.sem_alloc : memref<!tpu.dma_semaphore, #tpu.memory_space<semaphore_mem>>
          %dma_start3A = arith.constant 0 : i32
          %dma_start3A_56 = tpu.memref_slice %arg17[%mul3A_55, %dma_start3A] : memref<10000x128xf32, #tpu.memory_space<vmem_shared>> -> memref<1000x128xf32, #tpu.memory_space<vmem_shared>>
          tpu.enqueue_dma source(%arg5 : memref<1000x128xf32, #tpu.memory_space<hbm>>) target(%dma_start3A_56 : memref<1000x128xf32, #tpu.memory_space<vmem_shared>>) target_semaphore(%run_scoped3A : memref<!tpu.dma_semaphore, #tpu.memory_space<semaphore_mem>>)
          %dma_wait3A = arith.constant 0 : i32
          %dma_wait3A_57 = tpu.memref_slice %arg17[%mul3A_55, %dma_wait3A] : memref<10000x128xf32, #tpu.memory_space<vmem_shared>> -> memref<1000x128xf32, #tpu.memory_space<vmem_shared>>
          tpu.wait_dma2 semaphore(%run_scoped3A : memref<!tpu.dma_semaphore, #tpu.memory_space<semaphore_mem>>) src(%arg5 : memref<1000x128xf32, #tpu.memory_space<hbm>>) dst(%dma_wait3A_57 : memref<1000x128xf32, #tpu.memory_space<vmem_shared>>)
          tpu.yield
        }) : () -> ()
      } else {
      }
      %barrier3A_41 = arith.constant 0 : index
      tpu.barrier barrier_id(%barrier3A_41)
      %scan3A_42 = arith.constant 0 : i32
      %scan3A_43 = arith.constant 0 : i32
      %scan3A_44 = arith.constant 5 : i32
      %scan3A_45 = arith.addi %scan3A_43, %scan3A_44 : i32
      %scan3A_46 = arith.constant 1 : i32
      scf.for %scan3A_54 = %scan3A_43 to %scan3A_45 step %scan3A_46  : i32 {
        %mul3A_55 = arith.constant 32 : i32
        %mul3A_56 = arith.muli %scan3A_35, %mul3A_55 : i32
        %add3A_57 = arith.addi %mul3A_56, %add3A : i32
        %mul3A_58 = arith.constant 5 : i32
        %mul3A_59 = arith.muli %add3A_57, %mul3A_58 : i32
        %add3A_60 = arith.addi %mul3A_59, %scan3A_54 : i32
        "tpu.region"() ({
          %run_scoped3A = tpu.sem_alloc : memref<!tpu.dma_semaphore, #tpu.memory_space<semaphore_mem>>
          %dma_start3A = arith.constant 0 : i32
          %dma_start3A_70 = arith.constant 0 : i32
          %dma_start3A_71 = tpu.memref_slice %arg2[%add3A_60, %dma_start3A, %dma_start3A_70] : memref<1280x50x40xi32, #tpu.memory_space<hbm>> -> memref<1x50x40xi32, #tpu.memory_space<hbm>>
          %dma_start3A_72 = tpu.memref_squeeze %dma_start3A_71 : memref<1x50x40xi32, #tpu.memory_space<hbm>> -> memref<50x40xi32, #tpu.memory_space<hbm>>
          %dma_start3A_73 = arith.constant 0 : i32
          %dma_start3A_74 = arith.constant 0 : i32
          %dma_start3A_75 = tpu.memref_slice %arg2[%add3A_60, %dma_start3A_73, %dma_start3A_74] : memref<1280x50x40xi32, #tpu.memory_space<hbm>> -> memref<1x50x40xi32, #tpu.memory_space<hbm>>
          %dma_start3A_76 = tpu.memref_squeeze %dma_start3A_75 : memref<1x50x40xi32, #tpu.memory_space<hbm>> -> memref<50x40xi32, #tpu.memory_space<hbm>>
          tpu.enqueue_dma source(%dma_start3A_76 : memref<50x40xi32, #tpu.memory_space<hbm>>) target(%arg8 : memref<50x40xi32, #tpu.memory_space<vmem>>) target_semaphore(%run_scoped3A : memref<!tpu.dma_semaphore, #tpu.memory_space<semaphore_mem>>)
          %dma_wait3A = arith.constant 0 : i32
          %dma_wait3A_77 = arith.constant 0 : i32
          %dma_wait3A_78 = tpu.memref_slice %arg2[%add3A_60, %dma_wait3A, %dma_wait3A_77] : memref<1280x50x40xi32, #tpu.memory_space<hbm>> -> memref<1x50x40xi32, #tpu.memory_space<hbm>>
          %dma_wait3A_79 = tpu.memref_squeeze %dma_wait3A_78 : memref<1x50x40xi32, #tpu.memory_space<hbm>> -> memref<50x40xi32, #tpu.memory_space<hbm>>
          %dma_wait3A_80 = arith.constant 0 : i32
          %dma_wait3A_81 = arith.constant 0 : i32
          %dma_wait3A_82 = tpu.memref_slice %arg2[%add3A_60, %dma_wait3A_80, %dma_wait3A_81] : memref<1280x50x40xi32, #tpu.memory_space<hbm>> -> memref<1x50x40xi32, #tpu.memory_space<hbm>>
          %dma_wait3A_83 = tpu.memref_squeeze %dma_wait3A_82 : memref<1x50x40xi32, #tpu.memory_space<hbm>> -> memref<50x40xi32, #tpu.memory_space<hbm>>
          tpu.wait_dma2 semaphore(%run_scoped3A : memref<!tpu.dma_semaphore, #tpu.memory_space<semaphore_mem>>) src(%dma_wait3A_83 : memref<50x40xi32, #tpu.memory_space<hbm>>) dst(%arg8 : memref<50x40xi32, #tpu.memory_space<vmem>>)
          tpu.yield
        }) : () -> ()
        %mul3A_61 = arith.constant 5 : i32
        %mul3A_62 = arith.muli %add3A, %mul3A_61 : i32
        %add3A_63 = arith.addi %mul3A_62, %scan3A_54 : i32
        "tpu.region"() ({
          %run_scoped3A = tpu.sem_alloc : memref<!tpu.dma_semaphore, #tpu.memory_space<semaphore_mem>>
          %dma_start3A = arith.constant 0 : i32
          %dma_start3A_70 = arith.constant 0 : i32
          %dma_start3A_71 = tpu.memref_slice %arg3[%add3A_63, %dma_start3A, %dma_start3A_70] : memref<160x50x40xi32, #tpu.memory_space<hbm>> -> memref<1x50x40xi32, #tpu.memory_space<hbm>>
          %dma_start3A_72 = tpu.memref_squeeze %dma_start3A_71 : memref<1x50x40xi32, #tpu.memory_space<hbm>> -> memref<50x40xi32, #tpu.memory_space<hbm>>
          %dma_start3A_73 = arith.constant 0 : i32
          %dma_start3A_74 = arith.constant 0 : i32
          %dma_start3A_75 = tpu.memref_slice %arg3[%add3A_63, %dma_start3A_73, %dma_start3A_74] : memref<160x50x40xi32, #tpu.memory_space<hbm>> -> memref<1x50x40xi32, #tpu.memory_space<hbm>>
          %dma_start3A_76 = tpu.memref_squeeze %dma_start3A_75 : memref<1x50x40xi32, #tpu.memory_space<hbm>> -> memref<50x40xi32, #tpu.memory_space<hbm>>
          tpu.enqueue_dma source(%dma_start3A_76 : memref<50x40xi32, #tpu.memory_space<hbm>>) target(%arg9 : memref<50x40xi32, #tpu.memory_space<vmem>>) target_semaphore(%run_scoped3A : memref<!tpu.dma_semaphore, #tpu.memory_space<semaphore_mem>>)
          %dma_wait3A = arith.constant 0 : i32
          %dma_wait3A_77 = arith.constant 0 : i32
          %dma_wait3A_78 = tpu.memref_slice %arg3[%add3A_63, %dma_wait3A, %dma_wait3A_77] : memref<160x50x40xi32, #tpu.memory_space<hbm>> -> memref<1x50x40xi32, #tpu.memory_space<hbm>>
          %dma_wait3A_79 = tpu.memref_squeeze %dma_wait3A_78 : memref<1x50x40xi32, #tpu.memory_space<hbm>> -> memref<50x40xi32, #tpu.memory_space<hbm>>
          %dma_wait3A_80 = arith.constant 0 : i32
          %dma_wait3A_81 = arith.constant 0 : i32
          %dma_wait3A_82 = tpu.memref_slice %arg3[%add3A_63, %dma_wait3A_80, %dma_wait3A_81] : memref<160x50x40xi32, #tpu.memory_space<hbm>> -> memref<1x50x40xi32, #tpu.memory_space<hbm>>
          %dma_wait3A_83 = tpu.memref_squeeze %dma_wait3A_82 : memref<1x50x40xi32, #tpu.memory_space<hbm>> -> memref<50x40xi32, #tpu.memory_space<hbm>>
          tpu.wait_dma2 semaphore(%run_scoped3A : memref<!tpu.dma_semaphore, #tpu.memory_space<semaphore_mem>>) src(%dma_wait3A_83 : memref<50x40xi32, #tpu.memory_space<hbm>>) dst(%arg9 : memref<50x40xi32, #tpu.memory_space<vmem>>)
          tpu.yield
        }) : () -> ()
        %scan3A_64 = arith.constant 0 : i32
        %scan3A_65 = arith.constant 0 : i32
        %scan3A_66 = arith.constant 10 : i32
        %scan3A_67 = arith.addi %scan3A_65, %scan3A_66 : i32
        %scan3A_68 = arith.constant 1 : i32
        scf.for %scan3A_70 = %scan3A_65 to %scan3A_67 step %scan3A_68  : i32 {
          %mul3A_71 = arith.constant 5 : i32
          %mul3A_72 = arith.muli %scan3A_70, %mul3A_71 : i32
          %add3A_73 = arith.constant 0 : i32
          %add3A_74 = arith.addi %mul3A_72, %add3A_73 : i32
          %dma_start3A = arith.constant 0 : i32
          %dma_start3A_75 = tpu.memref_slice %arg8[%add3A_74, %dma_start3A] : memref<50x40xi32, #tpu.memory_space<vmem>> -> memref<1x40xi32, #tpu.memory_space<vmem>>
          %dma_start3A_76 = tpu.memref_squeeze %dma_start3A_75 : memref<1x40xi32, #tpu.memory_space<vmem>> -> memref<40xi32, #tpu.memory_space<vmem>>
          %dma_start3A_77 = arith.constant 0 : i32
          %dma_start3A_78 = arith.constant 0 : i32
          %dma_start3A_79 = tpu.memref_slice %arg4[%dma_start3A_77, %dma_start3A_78] : memref<80000x128xf32, #tpu.memory_space<hbm>> -> memref<80000x128xf32, #tpu.memory_space<hbm>>
          tpu.enqueue_indirect_dma source(%dma_start3A_79 : memref<80000x128xf32, #tpu.memory_space<hbm>>) target(%arg10 : memref<40x128xf32, #tpu.memory_space<vmem>>) offsets(%dma_start3A_76 : memref<40xi32, #tpu.memory_space<vmem>>) semaphore(%arg19 : memref<!tpu.dma_semaphore, #tpu.memory_space<semaphore_mem>>)
          %add3A_80 = arith.constant 1 : i32
          %add3A_81 = arith.addi %mul3A_72, %add3A_80 : i32
          %dma_start3A_82 = arith.constant 0 : i32
          %dma_start3A_83 = tpu.memref_slice %arg8[%add3A_81, %dma_start3A_82] : memref<50x40xi32, #tpu.memory_space<vmem>> -> memref<1x40xi32, #tpu.memory_space<vmem>>
          %dma_start3A_84 = tpu.memref_squeeze %dma_start3A_83 : memref<1x40xi32, #tpu.memory_space<vmem>> -> memref<40xi32, #tpu.memory_space<vmem>>
          %dma_start3A_85 = arith.constant 0 : i32
          %dma_start3A_86 = arith.constant 0 : i32
          %dma_start3A_87 = tpu.memref_slice %arg4[%dma_start3A_85, %dma_start3A_86] : memref<80000x128xf32, #tpu.memory_space<hbm>> -> memref<80000x128xf32, #tpu.memory_space<hbm>>
          tpu.enqueue_indirect_dma source(%dma_start3A_87 : memref<80000x128xf32, #tpu.memory_space<hbm>>) target(%arg11 : memref<40x128xf32, #tpu.memory_space<vmem>>) offsets(%dma_start3A_84 : memref<40xi32, #tpu.memory_space<vmem>>) semaphore(%arg19 : memref<!tpu.dma_semaphore, #tpu.memory_space<semaphore_mem>>)
          %add3A_88 = arith.constant 2 : i32
          %add3A_89 = arith.addi %mul3A_72, %add3A_88 : i32
          %dma_start3A_90 = arith.constant 0 : i32
          %dma_start3A_91 = tpu.memref_slice %arg8[%add3A_89, %dma_start3A_90] : memref<50x40xi32, #tpu.memory_space<vmem>> -> memref<1x40xi32, #tpu.memory_space<vmem>>
          %dma_start3A_92 = tpu.memref_squeeze %dma_start3A_91 : memref<1x40xi32, #tpu.memory_space<vmem>> -> memref<40xi32, #tpu.memory_space<vmem>>
          %dma_start3A_93 = arith.constant 0 : i32
          %dma_start3A_94 = arith.constant 0 : i32
          %dma_start3A_95 = tpu.memref_slice %arg4[%dma_start3A_93, %dma_start3A_94] : memref<80000x128xf32, #tpu.memory_space<hbm>> -> memref<80000x128xf32, #tpu.memory_space<hbm>>
          tpu.enqueue_indirect_dma source(%dma_start3A_95 : memref<80000x128xf32, #tpu.memory_space<hbm>>) target(%arg12 : memref<40x128xf32, #tpu.memory_space<vmem>>) offsets(%dma_start3A_92 : memref<40xi32, #tpu.memory_space<vmem>>) semaphore(%arg19 : memref<!tpu.dma_semaphore, #tpu.memory_space<semaphore_mem>>)
          %add3A_96 = arith.constant 3 : i32
          %add3A_97 = arith.addi %mul3A_72, %add3A_96 : i32
          %dma_start3A_98 = arith.constant 0 : i32
          %dma_start3A_99 = tpu.memref_slice %arg8[%add3A_97, %dma_start3A_98] : memref<50x40xi32, #tpu.memory_space<vmem>> -> memref<1x40xi32, #tpu.memory_space<vmem>>
          %dma_start3A_100 = tpu.memref_squeeze %dma_start3A_99 : memref<1x40xi32, #tpu.memory_space<vmem>> -> memref<40xi32, #tpu.memory_space<vmem>>
          %dma_start3A_101 = arith.constant 0 : i32
          %dma_start3A_102 = arith.constant 0 : i32
          %dma_start3A_103 = tpu.memref_slice %arg4[%dma_start3A_101, %dma_start3A_102] : memref<80000x128xf32, #tpu.memory_space<hbm>> -> memref<80000x128xf32, #tpu.memory_space<hbm>>
          tpu.enqueue_indirect_dma source(%dma_start3A_103 : memref<80000x128xf32, #tpu.memory_space<hbm>>) target(%arg13 : memref<40x128xf32, #tpu.memory_space<vmem>>) offsets(%dma_start3A_100 : memref<40xi32, #tpu.memory_space<vmem>>) semaphore(%arg19 : memref<!tpu.dma_semaphore, #tpu.memory_space<semaphore_mem>>)
          %add3A_104 = arith.constant 4 : i32
          %add3A_105 = arith.addi %mul3A_72, %add3A_104 : i32
          %dma_start3A_106 = arith.constant 0 : i32
          %dma_start3A_107 = tpu.memref_slice %arg8[%add3A_105, %dma_start3A_106] : memref<50x40xi32, #tpu.memory_space<vmem>> -> memref<1x40xi32, #tpu.memory_space<vmem>>
          %dma_start3A_108 = tpu.memref_squeeze %dma_start3A_107 : memref<1x40xi32, #tpu.memory_space<vmem>> -> memref<40xi32, #tpu.memory_space<vmem>>
          %dma_start3A_109 = arith.constant 0 : i32
          %dma_start3A_110 = arith.constant 0 : i32
          %dma_start3A_111 = tpu.memref_slice %arg4[%dma_start3A_109, %dma_start3A_110] : memref<80000x128xf32, #tpu.memory_space<hbm>> -> memref<80000x128xf32, #tpu.memory_space<hbm>>
          tpu.enqueue_indirect_dma source(%dma_start3A_111 : memref<80000x128xf32, #tpu.memory_space<hbm>>) target(%arg14 : memref<40x128xf32, #tpu.memory_space<vmem>>) offsets(%dma_start3A_108 : memref<40xi32, #tpu.memory_space<vmem>>) semaphore(%arg19 : memref<!tpu.dma_semaphore, #tpu.memory_space<semaphore_mem>>)
          %dma_wait3A = arith.constant 0 : i32
          %dma_wait3A_112 = arith.constant 0 : i32
          %dma_wait3A_113 = tpu.memref_slice %arg4[%dma_wait3A, %dma_wait3A_112] : memref<80000x128xf32, #tpu.memory_space<hbm>> -> memref<40x128xf32, #tpu.memory_space<hbm>>
          %dma_wait3A_114 = arith.constant 0 : i32
          %dma_wait3A_115 = arith.constant 0 : i32
          %dma_wait3A_116 = tpu.memref_slice %arg4[%dma_wait3A_114, %dma_wait3A_115] : memref<80000x128xf32, #tpu.memory_space<hbm>> -> memref<40x128xf32, #tpu.memory_space<hbm>>
          tpu.wait_dma2 semaphore(%arg19 : memref<!tpu.dma_semaphore, #tpu.memory_space<semaphore_mem>>) src(%dma_wait3A_116 : memref<40x128xf32, #tpu.memory_space<hbm>>) dst(%arg10 : memref<40x128xf32, #tpu.memory_space<vmem>>)
          %dma_wait3A_117 = arith.constant 0 : i32
          %dma_wait3A_118 = arith.constant 0 : i32
          %dma_wait3A_119 = tpu.memref_slice %arg4[%dma_wait3A_117, %dma_wait3A_118] : memref<80000x128xf32, #tpu.memory_space<hbm>> -> memref<40x128xf32, #tpu.memory_space<hbm>>
          %dma_wait3A_120 = arith.constant 0 : i32
          %dma_wait3A_121 = arith.constant 0 : i32
          %dma_wait3A_122 = tpu.memref_slice %arg4[%dma_wait3A_120, %dma_wait3A_121] : memref<80000x128xf32, #tpu.memory_space<hbm>> -> memref<40x128xf32, #tpu.memory_space<hbm>>
          tpu.wait_dma2 semaphore(%arg19 : memref<!tpu.dma_semaphore, #tpu.memory_space<semaphore_mem>>) src(%dma_wait3A_122 : memref<40x128xf32, #tpu.memory_space<hbm>>) dst(%arg11 : memref<40x128xf32, #tpu.memory_space<vmem>>)
          %dma_wait3A_123 = arith.constant 0 : i32
          %dma_wait3A_124 = arith.constant 0 : i32
          %dma_wait3A_125 = tpu.memref_slice %arg4[%dma_wait3A_123, %dma_wait3A_124] : memref<80000x128xf32, #tpu.memory_space<hbm>> -> memref<40x128xf32, #tpu.memory_space<hbm>>
          %dma_wait3A_126 = arith.constant 0 : i32
          %dma_wait3A_127 = arith.constant 0 : i32
          %dma_wait3A_128 = tpu.memref_slice %arg4[%dma_wait3A_126, %dma_wait3A_127] : memref<80000x128xf32, #tpu.memory_space<hbm>> -> memref<40x128xf32, #tpu.memory_space<hbm>>
          tpu.wait_dma2 semaphore(%arg19 : memref<!tpu.dma_semaphore, #tpu.memory_space<semaphore_mem>>) src(%dma_wait3A_128 : memref<40x128xf32, #tpu.memory_space<hbm>>) dst(%arg12 : memref<40x128xf32, #tpu.memory_space<vmem>>)
          %dma_wait3A_129 = arith.constant 0 : i32
          %dma_wait3A_130 = arith.constant 0 : i32
          %dma_wait3A_131 = tpu.memref_slice %arg4[%dma_wait3A_129, %dma_wait3A_130] : memref<80000x128xf32, #tpu.memory_space<hbm>> -> memref<40x128xf32, #tpu.memory_space<hbm>>
          %dma_wait3A_132 = arith.constant 0 : i32
          %dma_wait3A_133 = arith.constant 0 : i32
          %dma_wait3A_134 = tpu.memref_slice %arg4[%dma_wait3A_132, %dma_wait3A_133] : memref<80000x128xf32, #tpu.memory_space<hbm>> -> memref<40x128xf32, #tpu.memory_space<hbm>>
          tpu.wait_dma2 semaphore(%arg19 : memref<!tpu.dma_semaphore, #tpu.memory_space<semaphore_mem>>) src(%dma_wait3A_134 : memref<40x128xf32, #tpu.memory_space<hbm>>) dst(%arg13 : memref<40x128xf32, #tpu.memory_space<vmem>>)
          %dma_wait3A_135 = arith.constant 0 : i32
          %dma_wait3A_136 = arith.constant 0 : i32
          %dma_wait3A_137 = tpu.memref_slice %arg4[%dma_wait3A_135, %dma_wait3A_136] : memref<80000x128xf32, #tpu.memory_space<hbm>> -> memref<40x128xf32, #tpu.memory_space<hbm>>
          %dma_wait3A_138 = arith.constant 0 : i32
          %dma_wait3A_139 = arith.constant 0 : i32
          %dma_wait3A_140 = tpu.memref_slice %arg4[%dma_wait3A_138, %dma_wait3A_139] : memref<80000x128xf32, #tpu.memory_space<hbm>> -> memref<40x128xf32, #tpu.memory_space<hbm>>
          tpu.wait_dma2 semaphore(%arg19 : memref<!tpu.dma_semaphore, #tpu.memory_space<semaphore_mem>>) src(%dma_wait3A_140 : memref<40x128xf32, #tpu.memory_space<hbm>>) dst(%arg14 : memref<40x128xf32, #tpu.memory_space<vmem>>)
          %add3A_141 = arith.constant 0 : i32
          %add3A_142 = arith.addi %mul3A_72, %add3A_141 : i32
          "tpu.region"() ({
            %run_scoped3A = tpu.sem_alloc : memref<!tpu.dma_semaphore, #tpu.memory_space<semaphore_mem>>
            %dma_start3A_151 = arith.constant 0 : i32
            %dma_start3A_152 = tpu.memref_slice %arg9[%add3A_142, %dma_start3A_151] : memref<50x40xi32, #tpu.memory_space<vmem>> -> memref<1x40xi32, #tpu.memory_space<vmem>>
            %dma_start3A_153 = tpu.memref_squeeze %dma_start3A_152 : memref<1x40xi32, #tpu.memory_space<vmem>> -> memref<40xi32, #tpu.memory_space<vmem>>
            %dma_start3A_154 = arith.constant 0 : i32
            %dma_start3A_155 = arith.constant 0 : i32
            %dma_start3A_156 = tpu.memref_slice %arg17[%dma_start3A_154, %dma_start3A_155] : memref<10000x128xf32, #tpu.memory_space<vmem_shared>> -> memref<10000x128xf32, #tpu.memory_space<vmem_shared>>
            tpu.enqueue_indirect_dma source(%arg10 : memref<40x128xf32, #tpu.memory_space<vmem>>) target(%dma_start3A_156 : memref<10000x128xf32, #tpu.memory_space<vmem_shared>>) offsets(%dma_start3A_153 : memref<40xi32, #tpu.memory_space<vmem>>) semaphore(%run_scoped3A : memref<!tpu.dma_semaphore, #tpu.memory_space<semaphore_mem>>) {add = true}
            %dma_wait3A_157 = arith.constant 0 : i32
            %dma_wait3A_158 = tpu.memref_slice %arg9[%add3A_142, %dma_wait3A_157] : memref<50x40xi32, #tpu.memory_space<vmem>> -> memref<1x40xi32, #tpu.memory_space<vmem>>
            %dma_wait3A_159 = tpu.memref_squeeze %dma_wait3A_158 : memref<1x40xi32, #tpu.memory_space<vmem>> -> memref<40xi32, #tpu.memory_space<vmem>>
            %dma_wait3A_160 = arith.constant 0 : i32
            %dma_wait3A_161 = arith.constant 0 : i32
            %dma_wait3A_162 = tpu.memref_slice %arg17[%dma_wait3A_160, %dma_wait3A_161] : memref<10000x128xf32, #tpu.memory_space<vmem_shared>> -> memref<10000x128xf32, #tpu.memory_space<vmem_shared>>
            tpu.wait_indirect_dma semaphore(%run_scoped3A : memref<!tpu.dma_semaphore, #tpu.memory_space<semaphore_mem>>) src(%arg10 : memref<40x128xf32, #tpu.memory_space<vmem>>) dst(%dma_wait3A_162 : memref<10000x128xf32, #tpu.memory_space<vmem_shared>>)
            tpu.yield
          }) : () -> ()
          %add3A_143 = arith.constant 1 : i32
          %add3A_144 = arith.addi %mul3A_72, %add3A_143 : i32
          "tpu.region"() ({
            %run_scoped3A = tpu.sem_alloc : memref<!tpu.dma_semaphore, #tpu.memory_space<semaphore_mem>>
            %dma_start3A_151 = arith.constant 0 : i32
            %dma_start3A_152 = tpu.memref_slice %arg9[%add3A_144, %dma_start3A_151] : memref<50x40xi32, #tpu.memory_space<vmem>> -> memref<1x40xi32, #tpu.memory_space<vmem>>
            %dma_start3A_153 = tpu.memref_squeeze %dma_start3A_152 : memref<1x40xi32, #tpu.memory_space<vmem>> -> memref<40xi32, #tpu.memory_space<vmem>>
            %dma_start3A_154 = arith.constant 0 : i32
            %dma_start3A_155 = arith.constant 0 : i32
            %dma_start3A_156 = tpu.memref_slice %arg17[%dma_start3A_154, %dma_start3A_155] : memref<10000x128xf32, #tpu.memory_space<vmem_shared>> -> memref<10000x128xf32, #tpu.memory_space<vmem_shared>>
            tpu.enqueue_indirect_dma source(%arg11 : memref<40x128xf32, #tpu.memory_space<vmem>>) target(%dma_start3A_156 : memref<10000x128xf32, #tpu.memory_space<vmem_shared>>) offsets(%dma_start3A_153 : memref<40xi32, #tpu.memory_space<vmem>>) semaphore(%run_scoped3A : memref<!tpu.dma_semaphore, #tpu.memory_space<semaphore_mem>>) {add = true}
            %dma_wait3A_157 = arith.constant 0 : i32
            %dma_wait3A_158 = tpu.memref_slice %arg9[%add3A_144, %dma_wait3A_157] : memref<50x40xi32, #tpu.memory_space<vmem>> -> memref<1x40xi32, #tpu.memory_space<vmem>>
            %dma_wait3A_159 = tpu.memref_squeeze %dma_wait3A_158 : memref<1x40xi32, #tpu.memory_space<vmem>> -> memref<40xi32, #tpu.memory_space<vmem>>
            %dma_wait3A_160 = arith.constant 0 : i32
            %dma_wait3A_161 = arith.constant 0 : i32
            %dma_wait3A_162 = tpu.memref_slice %arg17[%dma_wait3A_160, %dma_wait3A_161] : memref<10000x128xf32, #tpu.memory_space<vmem_shared>> -> memref<10000x128xf32, #tpu.memory_space<vmem_shared>>
            tpu.wait_indirect_dma semaphore(%run_scoped3A : memref<!tpu.dma_semaphore, #tpu.memory_space<semaphore_mem>>) src(%arg11 : memref<40x128xf32, #tpu.memory_space<vmem>>) dst(%dma_wait3A_162 : memref<10000x128xf32, #tpu.memory_space<vmem_shared>>)
            tpu.yield
          }) : () -> ()
          %add3A_145 = arith.constant 2 : i32
          %add3A_146 = arith.addi %mul3A_72, %add3A_145 : i32
          "tpu.region"() ({
            %run_scoped3A = tpu.sem_alloc : memref<!tpu.dma_semaphore, #tpu.memory_space<semaphore_mem>>
            %dma_start3A_151 = arith.constant 0 : i32
            %dma_start3A_152 = tpu.memref_slice %arg9[%add3A_146, %dma_start3A_151] : memref<50x40xi32, #tpu.memory_space<vmem>> -> memref<1x40xi32, #tpu.memory_space<vmem>>
            %dma_start3A_153 = tpu.memref_squeeze %dma_start3A_152 : memref<1x40xi32, #tpu.memory_space<vmem>> -> memref<40xi32, #tpu.memory_space<vmem>>
            %dma_start3A_154 = arith.constant 0 : i32
            %dma_start3A_155 = arith.constant 0 : i32
            %dma_start3A_156 = tpu.memref_slice %arg17[%dma_start3A_154, %dma_start3A_155] : memref<10000x128xf32, #tpu.memory_space<vmem_shared>> -> memref<10000x128xf32, #tpu.memory_space<vmem_shared>>
            tpu.enqueue_indirect_dma source(%arg12 : memref<40x128xf32, #tpu.memory_space<vmem>>) target(%dma_start3A_156 : memref<10000x128xf32, #tpu.memory_space<vmem_shared>>) offsets(%dma_start3A_153 : memref<40xi32, #tpu.memory_space<vmem>>) semaphore(%run_scoped3A : memref<!tpu.dma_semaphore, #tpu.memory_space<semaphore_mem>>) {add = true}
            %dma_wait3A_157 = arith.constant 0 : i32
            %dma_wait3A_158 = tpu.memref_slice %arg9[%add3A_146, %dma_wait3A_157] : memref<50x40xi32, #tpu.memory_space<vmem>> -> memref<1x40xi32, #tpu.memory_space<vmem>>
            %dma_wait3A_159 = tpu.memref_squeeze %dma_wait3A_158 : memref<1x40xi32, #tpu.memory_space<vmem>> -> memref<40xi32, #tpu.memory_space<vmem>>
            %dma_wait3A_160 = arith.constant 0 : i32
            %dma_wait3A_161 = arith.constant 0 : i32
            %dma_wait3A_162 = tpu.memref_slice %arg17[%dma_wait3A_160, %dma_wait3A_161] : memref<10000x128xf32, #tpu.memory_space<vmem_shared>> -> memref<10000x128xf32, #tpu.memory_space<vmem_shared>>
            tpu.wait_indirect_dma semaphore(%run_scoped3A : memref<!tpu.dma_semaphore, #tpu.memory_space<semaphore_mem>>) src(%arg12 : memref<40x128xf32, #tpu.memory_space<vmem>>) dst(%dma_wait3A_162 : memref<10000x128xf32, #tpu.memory_space<vmem_shared>>)
            tpu.yield
          }) : () -> ()
          %add3A_147 = arith.constant 3 : i32
          %add3A_148 = arith.addi %mul3A_72, %add3A_147 : i32
          "tpu.region"() ({
            %run_scoped3A = tpu.sem_alloc : memref<!tpu.dma_semaphore, #tpu.memory_space<semaphore_mem>>
            %dma_start3A_151 = arith.constant 0 : i32
            %dma_start3A_152 = tpu.memref_slice %arg9[%add3A_148, %dma_start3A_151] : memref<50x40xi32, #tpu.memory_space<vmem>> -> memref<1x40xi32, #tpu.memory_space<vmem>>
            %dma_start3A_153 = tpu.memref_squeeze %dma_start3A_152 : memref<1x40xi32, #tpu.memory_space<vmem>> -> memref<40xi32, #tpu.memory_space<vmem>>
            %dma_start3A_154 = arith.constant 0 : i32
            %dma_start3A_155 = arith.constant 0 : i32
            %dma_start3A_156 = tpu.memref_slice %arg17[%dma_start3A_154, %dma_start3A_155] : memref<10000x128xf32, #tpu.memory_space<vmem_shared>> -> memref<10000x128xf32, #tpu.memory_space<vmem_shared>>
            tpu.enqueue_indirect_dma source(%arg13 : memref<40x128xf32, #tpu.memory_space<vmem>>) target(%dma_start3A_156 : memref<10000x128xf32, #tpu.memory_space<vmem_shared>>) offsets(%dma_start3A_153 : memref<40xi32, #tpu.memory_space<vmem>>) semaphore(%run_scoped3A : memref<!tpu.dma_semaphore, #tpu.memory_space<semaphore_mem>>) {add = true}
            %dma_wait3A_157 = arith.constant 0 : i32
            %dma_wait3A_158 = tpu.memref_slice %arg9[%add3A_148, %dma_wait3A_157] : memref<50x40xi32, #tpu.memory_space<vmem>> -> memref<1x40xi32, #tpu.memory_space<vmem>>
            %dma_wait3A_159 = tpu.memref_squeeze %dma_wait3A_158 : memref<1x40xi32, #tpu.memory_space<vmem>> -> memref<40xi32, #tpu.memory_space<vmem>>
            %dma_wait3A_160 = arith.constant 0 : i32
            %dma_wait3A_161 = arith.constant 0 : i32
            %dma_wait3A_162 = tpu.memref_slice %arg17[%dma_wait3A_160, %dma_wait3A_161] : memref<10000x128xf32, #tpu.memory_space<vmem_shared>> -> memref<10000x128xf32, #tpu.memory_space<vmem_shared>>
            tpu.wait_indirect_dma semaphore(%run_scoped3A : memref<!tpu.dma_semaphore, #tpu.memory_space<semaphore_mem>>) src(%arg13 : memref<40x128xf32, #tpu.memory_space<vmem>>) dst(%dma_wait3A_162 : memref<10000x128xf32, #tpu.memory_space<vmem_shared>>)
            tpu.yield
          }) : () -> ()
          %add3A_149 = arith.constant 4 : i32
          %add3A_150 = arith.addi %mul3A_72, %add3A_149 : i32
          "tpu.region"() ({
            %run_scoped3A = tpu.sem_alloc : memref<!tpu.dma_semaphore, #tpu.memory_space<semaphore_mem>>
            %dma_start3A_151 = arith.constant 0 : i32
            %dma_start3A_152 = tpu.memref_slice %arg9[%add3A_150, %dma_start3A_151] : memref<50x40xi32, #tpu.memory_space<vmem>> -> memref<1x40xi32, #tpu.memory_space<vmem>>
            %dma_start3A_153 = tpu.memref_squeeze %dma_start3A_152 : memref<1x40xi32, #tpu.memory_space<vmem>> -> memref<40xi32, #tpu.memory_space<vmem>>
            %dma_start3A_154 = arith.constant 0 : i32
            %dma_start3A_155 = arith.constant 0 : i32
            %dma_start3A_156 = tpu.memref_slice %arg17[%dma_start3A_154, %dma_start3A_155] : memref<10000x128xf32, #tpu.memory_space<vmem_shared>> -> memref<10000x128xf32, #tpu.memory_space<vmem_shared>>
            tpu.enqueue_indirect_dma source(%arg14 : memref<40x128xf32, #tpu.memory_space<vmem>>) target(%dma_start3A_156 : memref<10000x128xf32, #tpu.memory_space<vmem_shared>>) offsets(%dma_start3A_153 : memref<40xi32, #tpu.memory_space<vmem>>) semaphore(%run_scoped3A : memref<!tpu.dma_semaphore, #tpu.memory_space<semaphore_mem>>) {add = true}
            %dma_wait3A_157 = arith.constant 0 : i32
            %dma_wait3A_158 = tpu.memref_slice %arg9[%add3A_150, %dma_wait3A_157] : memref<50x40xi32, #tpu.memory_space<vmem>> -> memref<1x40xi32, #tpu.memory_space<vmem>>
            %dma_wait3A_159 = tpu.memref_squeeze %dma_wait3A_158 : memref<1x40xi32, #tpu.memory_space<vmem>> -> memref<40xi32, #tpu.memory_space<vmem>>
            %dma_wait3A_160 = arith.constant 0 : i32
            %dma_wait3A_161 = arith.constant 0 : i32
            %dma_wait3A_162 = tpu.memref_slice %arg17[%dma_wait3A_160, %dma_wait3A_161] : memref<10000x128xf32, #tpu.memory_space<vmem_shared>> -> memref<10000x128xf32, #tpu.memory_space<vmem_shared>>
            tpu.wait_indirect_dma semaphore(%run_scoped3A : memref<!tpu.dma_semaphore, #tpu.memory_space<semaphore_mem>>) src(%arg14 : memref<40x128xf32, #tpu.memory_space<vmem>>) dst(%dma_wait3A_162 : memref<10000x128xf32, #tpu.memory_space<vmem_shared>>)
            tpu.yield
          }) : () -> ()
        }
        %scan3A_69 = arith.constant 10 : i32
      }
      %scan3A_47 = arith.constant 5 : i32
      %barrier3A_48 = arith.constant 0 : index
      tpu.barrier barrier_id(%barrier3A_48)
      %lt3A_49 = arith.constant 10 : i32
      %lt3A_50 = arith.cmpi slt, %arg1, %lt3A_49 : i32
      %convert_element_type3A_51 = arith.extui %lt3A_50 : i1 to i32
      %cond3A_52 = arith.constant 0 : i32
      %cond3A_53 = arith.cmpi ne, %convert_element_type3A_51, %cond3A_52 : i32
      scf.if %cond3A_53 {
        %mul3A_54 = arith.constant 1000 : i32
        %mul3A_55 = arith.muli %arg1, %mul3A_54 : i32
        "tpu.region"() ({
          %run_scoped3A = tpu.sem_alloc : memref<!tpu.dma_semaphore, #tpu.memory_space<semaphore_mem>>
          %dma_start3A = arith.constant 0 : i32
          %dma_start3A_56 = tpu.memref_slice %arg6[%arg0, %scan3A_35, %mul3A_55, %dma_start3A] : memref<2x8x10000x128xf32, #tpu.memory_space<hbm>> -> memref<1x1x1000x128xf32, #tpu.memory_space<hbm>>
          %dma_start3A_57 = tpu.memref_squeeze %dma_start3A_56 : memref<1x1x1000x128xf32, #tpu.memory_space<hbm>> -> memref<1000x128xf32, #tpu.memory_space<hbm>>
          %dma_start3A_58 = arith.constant 0 : i32
          %dma_start3A_59 = tpu.memref_slice %arg17[%mul3A_55, %dma_start3A_58] : memref<10000x128xf32, #tpu.memory_space<vmem_shared>> -> memref<1000x128xf32, #tpu.memory_space<vmem_shared>>
          tpu.enqueue_dma source(%dma_start3A_59 : memref<1000x128xf32, #tpu.memory_space<vmem_shared>>) target(%dma_start3A_57 : memref<1000x128xf32, #tpu.memory_space<hbm>>) target_semaphore(%run_scoped3A : memref<!tpu.dma_semaphore, #tpu.memory_space<semaphore_mem>>)
          %dma_wait3A = arith.constant 0 : i32
          %dma_wait3A_60 = tpu.memref_slice %arg6[%arg0, %scan3A_35, %mul3A_55, %dma_wait3A] : memref<2x8x10000x128xf32, #tpu.memory_space<hbm>> -> memref<1x1x1000x128xf32, #tpu.memory_space<hbm>>
          %dma_wait3A_61 = tpu.memref_squeeze %dma_wait3A_60 : memref<1x1x1000x128xf32, #tpu.memory_space<hbm>> -> memref<1000x128xf32, #tpu.memory_space<hbm>>
          %dma_wait3A_62 = arith.constant 0 : i32
          %dma_wait3A_63 = tpu.memref_slice %arg17[%mul3A_55, %dma_wait3A_62] : memref<10000x128xf32, #tpu.memory_space<vmem_shared>> -> memref<1000x128xf32, #tpu.memory_space<vmem_shared>>
          tpu.wait_dma2 semaphore(%run_scoped3A : memref<!tpu.dma_semaphore, #tpu.memory_space<semaphore_mem>>) src(%dma_wait3A_63 : memref<1000x128xf32, #tpu.memory_space<vmem_shared>>) dst(%dma_wait3A_61 : memref<1000x128xf32, #tpu.memory_space<hbm>>)
          tpu.yield
        }) : () -> ()
      } else {
      }
    }
    %scan3A_34 = arith.constant 8 : i32
    return
  }
}

module attributes {stable_mosaic.version = 14 : i64} {
  func.func @body(%arg0: i32, %arg1: i32, %arg2: memref<2000x2xf32, #tpu.memory_space<vmem>>, %arg3: memref<2x1x2000x128xf32, #tpu.memory_space<vmem>>, %arg4: memref<1x2000x128xf32, #tpu.memory_space<vmem>>, %arg5: memref<128x128xf32, #tpu.memory_space<vmem>>, %arg6: memref<1x128xf32, #tpu.memory_space<vmem>>, %arg7: memref<128x128xf32, #tpu.memory_space<vmem>>, %arg8: memref<1x2000x128xf32, #tpu.memory_space<vmem>>) attributes {dimension_semantics = [#tpu.dimension_semantics<arbitrary>, #tpu.dimension_semantics<arbitrary>], iteration_bounds = array<i64: 8, 5>, scalar_prefetch = 0 : i64, scratch_operands = 0 : i64, tpu.core_type = #tpu.core_type<tc>, window_params = [{transform_indices = @transform_0, window_bounds = array<i64: 2000, 2>}, {transform_indices = @transform_1, window_bounds = array<i64: 2, 1, 2000, 128>}, {transform_indices = @transform_2, window_bounds = array<i64: 1, 2000, 128>}, {pipeline_mode = #tpu.pipeline_mode<synchronous>, transform_indices = @transform_3, window_bounds = array<i64: 128, 128>}, {pipeline_mode = #tpu.pipeline_mode<synchronous>, transform_indices = @transform_4, window_bounds = array<i64: 1, 128>}, {pipeline_mode = #tpu.pipeline_mode<synchronous>, transform_indices = @transform_5, window_bounds = array<i64: 128, 128>}, {transform_indices = @transform_6, window_bounds = array<i64: 1, 2000, 128>}]} {
    %get3A = arith.constant 0 : index
    %get3A_0 = arith.constant 0 : index
    %get3A_1 = vector.load %arg2[%get3A, %get3A_0] : memref<2000x2xf32, #tpu.memory_space<vmem>>, vector<2000x1xf32>
    %get3A_2 = vector.shape_cast %get3A_1 : vector<2000x1xf32> to vector<2000xf32>
    %get3A_3 = arith.constant 0 : index
    %get3A_4 = arith.constant 1 : index
    %get3A_5 = vector.load %arg2[%get3A_3, %get3A_4] : memref<2000x2xf32, #tpu.memory_space<vmem>>, vector<2000x1xf32>
    %get3A_6 = vector.shape_cast %get3A_5 : vector<2000x1xf32> to vector<2000xf32>
    %add3A = arith.addf %get3A_2, %get3A_6 : vector<2000xf32>
    %get3A_7 = arith.constant 0 : index
    %get3A_8 = arith.constant 0 : index
    %get3A_9 = arith.constant 0 : index
    %get3A_10 = arith.constant 0 : index
    %get3A_11 = vector.load %arg3[%get3A_7, %get3A_8, %get3A_9, %get3A_10] : memref<2x1x2000x128xf32, #tpu.memory_space<vmem>>, vector<1x1x2000x128xf32>
    %get3A_12 = vector.shape_cast %get3A_11 : vector<1x1x2000x128xf32> to vector<2000x128xf32>
    %get3A_13 = arith.constant 1 : index
    %get3A_14 = arith.constant 0 : index
    %get3A_15 = arith.constant 0 : index
    %get3A_16 = arith.constant 0 : index
    %get3A_17 = vector.load %arg3[%get3A_13, %get3A_14, %get3A_15, %get3A_16] : memref<2x1x2000x128xf32, #tpu.memory_space<vmem>>, vector<1x1x2000x128xf32>
    %get3A_18 = vector.shape_cast %get3A_17 : vector<1x1x2000x128xf32> to vector<2000x128xf32>
    %add3A_19 = arith.addf %get3A_12, %get3A_18 : vector<2000x128xf32>
    %jit3A = arith.constant 1.000000e+00 : f32
    %max3A = vector.broadcast %jit3A : f32 to vector<2000xf32>
    %max3A_20 = arith.maximumf %max3A, %add3A : vector<2000xf32>
    %broadcast_in_dim3A = vector.shape_cast %max3A_20 : vector<2000xf32> to vector<2000x1xf32>
    %div3A = vector.broadcast %broadcast_in_dim3A : vector<2000x1xf32> to vector<2000x128xf32>
    %div3A_21 = arith.divf %add3A_19, %div3A : vector<2000x128xf32>
    %get3A_22 = arith.constant 0 : index
    %get3A_23 = arith.constant 0 : index
    %get3A_24 = vector.load %arg5[%get3A_22, %get3A_23] : memref<128x128xf32, #tpu.memory_space<vmem>>, vector<128x128xf32>
    %dot_general3A = arith.constant dense<0.000000e+00> : vector<2000x128xf32>
    %dot_general3A_25 = tpu.matmul %div3A_21, %get3A_24, %dot_general3A {dimension_numbers = #tpu.dot_dimension_numbers<[1], [0], [0], [1], [0, 0, 1, 1], [], []>, transpose_lhs_hint = false} : vector<2000x128xf32>, vector<128x128xf32>, vector<2000x128xf32> -> vector<2000x128xf32>
    %get3A_26 = arith.constant 0 : index
    %get3A_27 = arith.constant 0 : index
    %get3A_28 = arith.constant 0 : index
    %get3A_29 = vector.load %arg4[%get3A_26, %get3A_27, %get3A_28] : memref<1x2000x128xf32, #tpu.memory_space<vmem>>, vector<1x2000x128xf32>
    %get3A_30 = vector.shape_cast %get3A_29 : vector<1x2000x128xf32> to vector<2000x128xf32>
    %get3A_31 = arith.constant 0 : index
    %get3A_32 = arith.constant 0 : index
    %get3A_33 = vector.load %arg7[%get3A_31, %get3A_32] : memref<128x128xf32, #tpu.memory_space<vmem>>, vector<128x128xf32>
    %dot_general3A_34 = arith.constant dense<0.000000e+00> : vector<2000x128xf32>
    %dot_general3A_35 = tpu.matmul %get3A_30, %get3A_33, %dot_general3A_34 {dimension_numbers = #tpu.dot_dimension_numbers<[1], [0], [0], [1], [0, 0, 1, 1], [], []>, transpose_lhs_hint = false} : vector<2000x128xf32>, vector<128x128xf32>, vector<2000x128xf32> -> vector<2000x128xf32>
    %add3A_36 = arith.addf %dot_general3A_25, %dot_general3A_35 : vector<2000x128xf32>
    %get3A_37 = arith.constant 0 : index
    %get3A_38 = arith.constant 0 : index
    %get3A_39 = vector.load %arg6[%get3A_37, %get3A_38] : memref<1x128xf32, #tpu.memory_space<vmem>>, vector<1x128xf32>
    %get3A_40 = vector.shape_cast %get3A_39 : vector<1x128xf32> to vector<128xf32>
    %broadcast_in_dim3A_41 = vector.shape_cast %get3A_40 : vector<128xf32> to vector<1x128xf32>
    %add3A_42 = vector.broadcast %broadcast_in_dim3A_41 : vector<1x128xf32> to vector<2000x128xf32>
    %add3A_43 = arith.addf %add3A_36, %add3A_42 : vector<2000x128xf32>
    %mul3A = arith.constant 5.000000e-01 : f32
    %mul3A_44 = vector.broadcast %mul3A : f32 to vector<2000x128xf32>
    %mul3A_45 = arith.mulf %add3A_43, %mul3A_44 : vector<2000x128xf32>
    %mul3A_46 = arith.constant 0.707106769 : f32
    %mul3A_47 = vector.broadcast %mul3A_46 : f32 to vector<2000x128xf32>
    %mul3A_48 = arith.mulf %add3A_43, %mul3A_47 : vector<2000x128xf32>
    %erf3A = math.erf %mul3A_48 : vector<2000x128xf32>
    %add3A_49 = arith.constant 1.000000e+00 : f32
    %add3A_50 = vector.broadcast %add3A_49 : f32 to vector<2000x128xf32>
    %add3A_51 = arith.addf %add3A_50, %erf3A : vector<2000x128xf32>
    %mul3A_52 = arith.mulf %mul3A_45, %add3A_51 : vector<2000x128xf32>
    %swap3A = arith.constant 0 : index
    %swap3A_53 = arith.constant 0 : index
    %swap3A_54 = arith.constant 0 : index
    %swap3A_55 = vector.load %arg8[%swap3A, %swap3A_53, %swap3A_54] : memref<1x2000x128xf32, #tpu.memory_space<vmem>>, vector<1x2000x128xf32>
    %swap3A_56 = vector.shape_cast %swap3A_55 : vector<1x2000x128xf32> to vector<2000x128xf32>
    %swap3A_57 = vector.shape_cast %mul3A_52 : vector<2000x128xf32> to vector<1x2000x128xf32>
    tpu.vector_store %arg8[%swap3A, %swap3A_53, %swap3A_54], %swap3A_57 {strides = array<i32>} : memref<1x2000x128xf32, #tpu.memory_space<vmem>>, vector<1x2000x128xf32>,
    return
  }
  func.func @transform_0(%arg0: i32, %arg1: i32) -> (i32, i32) {
    %c0_i32 = arith.constant 0 : i32
    %c0_i32_0 = arith.constant 0 : i32
    return %arg1, %c0_i32 : i32, i32
  }
  func.func @transform_1(%arg0: i32, %arg1: i32) -> (i32, i32, i32, i32) {
    %c0_i32 = arith.constant 0 : i32
    %c0_i32_0 = arith.constant 0 : i32
    %c0_i32_1 = arith.constant 0 : i32
    return %c0_i32, %arg0, %arg1, %c0_i32_0 : i32, i32, i32, i32
  }
  func.func @transform_2(%arg0: i32, %arg1: i32) -> (i32, i32, i32) {
    %c0_i32 = arith.constant 0 : i32
    %c0_i32_0 = arith.constant 0 : i32
    return %arg0, %arg1, %c0_i32 : i32, i32, i32
  }
  func.func @transform_3(%arg0: i32, %arg1: i32) -> (i32, i32) {
    %c0_i32 = arith.constant 0 : i32
    %c0_i32_0 = arith.constant 0 : i32
    %c0_i32_1 = arith.constant 0 : i32
    return %c0_i32, %c0_i32_0 : i32, i32
  }
  func.func @transform_4(%arg0: i32, %arg1: i32) -> (i32, i32) {
    %c0_i32 = arith.constant 0 : i32
    %c0_i32_0 = arith.constant 0 : i32
    %c0_i32_1 = arith.constant 0 : i32
    return %c0_i32, %c0_i32_0 : i32, i32
  }
  func.func @transform_5(%arg0: i32, %arg1: i32) -> (i32, i32) {
    %c0_i32 = arith.constant 0 : i32
    %c0_i32_0 = arith.constant 0 : i32
    %c0_i32_1 = arith.constant 0 : i32
    return %c0_i32, %c0_i32_0 : i32, i32
  }
  func.func @transform_6(%arg0: i32, %arg1: i32) -> (i32, i32, i32) {
    %c0_i32 = arith.constant 0 : i32
    %c0_i32_0 = arith.constant 0 : i32
    return %arg0, %arg1, %c0_i32 : i32, i32, i32
  }
}

</mosaic_0001>

<sc_bundles>
// kernel: kernel.4.cloned.1.call-start
scs
__scs_entry_jumppad:
0x0: {  	(pc) =	sbr.rel $0x88, $3  }
0x1: {  	(tag) =	ssettag $0x0;
	lr =	simm.s32 $0x1  }
0x2: {  	[smem:$0x3F9C] =	sst lr;
	_ =	strace $0xD0000000  }
0x3: {  	_ = 	snop  }
0x4: {  	_ = 	snop  }
0x5: {  	_ = 	snop  }
0x6: {  	_ = 	snop  }
0x7: {  	_ = 	snop  }
__scs_overlays_trampoline_lowered:
0x8: {  	[smem:$0x3FAB] =	sst s0  }
0x9: {  	[smem:$0x3FAC] =	sst s1  }
0xa: {  	[smem:$0x3FAD] =	sst s2  }
0xb: {  	[smem:$0x3FAE] =	sst s3  }
0xc: {  	[smem:$0x3FAF] =	sst s4  }
0xd: {  	[smem:$0x3FB0] =	sst s5  }
0xe: {  	[smem:$0x3FB1] =	sst s6  }
0xf: {  	[smem:$0x3FB2] =	sst s7  }
0x10: {  	[smem:$0x3FB3] =	sst s8  }
0x11: {  	[smem:$0x3FB4] =	sst s9;
	s0 =	simm.s32 @!p0 $0x0  }
0x12: {  	s1 =	sld [smem:$0x3F9A];
	s0 =	simm.s32 @p0 $0x1  }
0x13: {  	[smem:$0x3FB5] =	sst s0;
	s0 =	simm.s32 @!p1 $0x0  }
0x14: {  	s2 =	sld [smem:$0x3F99];
	s0 =	simm.s32 @p1 $0x1  }
0x15: {  	[smem:$0x3FB6] =	sst s0;
	s0 =	simm.s32 @!p2 $0x0  }
0x16: {  	s3 =	sld [smem:$0x3FDB];
	s0 =	simm.s32 @p2 $0x1  }
0x17: {  	s4 =	simm.s32 $0x1BF5;
	[smem:$0x3FB8] =	sst s0  }
0x18: {  	s0 =	sld [smem:$0x3F9B];
	_ =	swait.ge [sflag:s4], $0x0  }
0x19: {  	s7 =	sld [smem:$0x3F9C]  }
0x1a: {  	s8 =	sadd.s32 $0xFFFFE003, lr  }
0x1b: {  	s9 =	sadd.s32 $0xFFFFFEF7, lr;
	s5 =	simm.s32 $0xFFFFFFFF;
	p2 =	slt.u32 s8, $0xFFFFF086  }
0x1c: {  	p1 =	slt.u32 s9, $0xF7A;
	s5 =	simm.s32 @!p2 $0x0  }
0x1d: {  	s5 =	simm.s32 @p1 $0x1;
	p0 =	seq.s32 s7, s2  }
0x1e: {  	s7 =	smul.u32 @!p0 $0xF7A, s2;
	p2 =	seq.s32 @!p0 s5, $0x0  }
0x1f: {  	s9 =	smul.u32 $0xF7A, s1;
	s8 =	simm.s32 @!p0 $0x1BF5;
	p2 =	por !p2, p0  }
0x20: {  	[sflag:s8] =	ssyncset.s32 @!p0 $0xFFFFF086;
	s6 =	sadd.s32 @!p0 s3, s7;
	s7 =	simm.s32 @!p0 $0x108  }
0x21: {  	s3 =	sadd.s32 s3, s9;
	s6 =	sadd.s32 @!p0 $0x88, s6;
	s7 =	simm.s32 @p2 $0x1082  }
0x22: {  	[simem:s7], [sflag:s8] =	dma.local @!p0 [hbm:s6], $0xF7A  }
0x23: {  	s9 =	sor.u32 $0xD0000000, s2;
	s6 =	simm.s32 $0x108;
	_ =	swait.ge @!p0 [sflag:s8], $0x0  }
0x24: {  	s3 =	sadd.s32 $0x88, s3;
	s6 =	simm.s32 @!p1 $0x1082;
	[sflag:s4] =	ssyncset.s32 $0xFFFFF086  }
0x25: {  	[simem:s6], [sflag:s4] =	dma.local [hbm:s3], $0xF7A  }
0x26: {  	[smem:$0x3F9C] =	sst s1;
	(tag) =	ssettag s2;
	_ =	strace s9  }
0x27: {  	s1 =	sld [smem:$0x3FAC]  }
0x28: {  	s2 =	sld [smem:$0x3FAD]  }
0x29: {  	s4 =	sld [smem:$0x3FAF]  }
0x2a: {  	p0 =	seq.s32 s5, $0x0;
	s5 =	sld [smem:$0x3FB0]  }
0x2b: {  	s6 =	sld [smem:$0x3FB1]  }
0x2c: {  	s7 =	sld [smem:$0x3FB2]  }
0x2d: {  	s3 =	simm.s32 $0x108;
	s8 =	sld [smem:$0x3FB3]  }
0x2e: {  	s3 =	simm.s32 @!p0 $0x1082;
	s9 =	sld [smem:$0x3FB4]  }
0x2f: {  	lr =	sadd.s32 s0, s3;
	s0 =	sld [smem:$0x3FAB]  }
0x30: {  	s3 =	sld [smem:$0x3FAE]  }
0x31: {  	[smem:$0x3FB7] =	sst s10  }
0x32: {  	s10 =	sld [smem:$0x3FB5];
	_ =	sdelay $0x3  }
0x33: {  	p0 =	seq.s32 s10, $0x1;
	s10 =	sld [smem:$0x3FB7];
	_ =	sdelay $0x3  }
0x34: {  	[smem:$0x3FB7] =	sst s10  }
0x35: {  	s10 =	sld [smem:$0x3FB6];
	_ =	sdelay $0x3  }
0x36: {  	p1 =	seq.s32 s10, $0x1;
	s10 =	sld [smem:$0x3FB7];
	_ =	sdelay $0x3  }
0x37: {  	[smem:$0x3FB7] =	sst s10  }
0x38: {  	s10 =	sld [smem:$0x3FB8]  }
0x39: {  	_ = 	snop;
	(pc) =	sbr.ind lr, $3  }
0x3a: {  	_ = 	snop  }
0x3b: {  	_ = 	snop  }
0x3c: {  	p2 =	seq.s32 s10, $0x1;
	s10 =	sld [smem:$0x3FB7]  }
0x3d: {  	_ =	shalt  }
0x3e: {  	_ =	shalt  }
0x3f: {  	_ =	shalt  }
0x40: {  	_ =	shalt  }
0x41: {  	_ =	shalt  }
0x42: {  	_ =	shalt  }
0x43: {  	_ =	shalt  }
0x44: {  	_ =	shalt  }
0x45: {  	_ =	shalt  }
0x46: {  	_ =	shalt  }
0x47: {  	_ =	shalt  }
0x48: {  	_ =	shalt  }
0x49: {  	_ =	shalt  }
0x4a: {  	_ =	shalt  }
0x4b: {  	_ =	shalt  }
0x4c: {  	_ =	shalt  }
0x4d: {  	_ =	shalt  }
0x4e: {  	_ =	shalt  }
0x4f: {  	_ =	shalt  }
0x50: {  	_ =	shalt  }
0x51: {  	_ =	shalt  }
0x52: {  	_ =	shalt  }
0x53: {  	_ =	shalt  }
0x54: {  	_ =	shalt  }
0x55: {  	_ =	shalt  }
0x56: {  	_ =	shalt  }
0x57: {  	_ =	shalt  }
0x58: {  	_ =	shalt  }
0x59: {  	_ =	shalt  }
0x5a: {  	_ =	shalt  }
0x5b: {  	_ =	shalt  }
0x5c: {  	_ =	shalt  }
0x5d: {  	_ =	shalt  }
0x5e: {  	_ =	shalt  }
0x5f: {  	_ =	shalt  }
0x60: {  	_ =	shalt  }
0x61: {  	_ =	shalt  }
0x62: {  	_ =	shalt  }
0x63: {  	_ =	shalt  }
0x64: {  	_ =	shalt  }
0x65: {  	_ =	shalt  }
0x66: {  	_ =	shalt  }
0x67: {  	_ =	shalt  }
0x68: {  	_ =	shalt  }
0x69: {  	_ =	shalt  }
0x6a: {  	_ =	shalt  }
0x6b: {  	_ =	shalt  }
0x6c: {  	_ =	shalt  }
0x6d: {  	_ =	shalt  }
0x6e: {  	_ =	shalt  }
0x6f: {  	_ =	shalt  }
0x70: {  	_ =	shalt  }
0x71: {  	_ =	shalt  }
0x72: {  	_ =	shalt  }
0x73: {  	_ =	shalt  }
0x74: {  	_ =	shalt  }
0x75: {  	_ =	shalt  }
0x76: {  	_ =	shalt  }
0x77: {  	_ =	shalt  }
0x78: {  	_ =	shalt  }
0x79: {  	_ =	shalt  }
0x7a: {  	_ =	shalt  }
0x7b: {  	_ =	shalt  }
0x7c: {  	_ =	shalt  }
0x7d: {  	_ =	shalt  }
0x7e: {  	_ =	shalt  }
0x7f: {  	_ =	shalt  }
0x80: {  	_ =	shalt  }
0x81: {  	_ =	shalt  }
0x82: {  	_ =	shalt  }
0x83: {  	_ =	shalt  }
0x84: {  	_ =	shalt  }
0x85: {  	_ =	shalt  }
0x86: {  	_ =	shalt  }
0x87: {  	_ =	shalt  }
.Lfunc_end0:
.L_simem_size_0:
called_computation_lowered:
.L_overlay_start_0:
0x88: {  	s2 =	sld [smem:$0x3FD9]  }
0x89: {  	s3 =	sld [smem:$0x3FFE];
	_ =	sdelay $0x1  }
0x8a: {  	s1 =	srdreg.scid  }
0x8b: {  	s0 =	sand.u32 $0x1, s1  }
0x8c: {  	s17 =	sshll.u32 s0, $0xA;
	s2 =	sadd.s32 s3, s2  }
0x8d: {  	s2 =	sadd.s32 s2, s17  }
0x8e: {  	[smem:$0x3FC3] =	sst s2  }
0x8f: {  	_ = 	snop  }
0x90: {  	s2 =	sld [smem:$0x3FC9]  }
0x91: {  	s18 =	sld [smem:$0x3FD0];
	(tm) =	ssettm $0x1  }
0x92: {  	s4 =	sld [smem:$0x3FFB];
	_ =	sdelay $0x3  }
0x93: {  	_ =	strace s4  }
0x94: {  	s4 =	sld [smem:$0x3FFC];
	_ =	sdelay $0x3  }
0x95: {  	_ =	strace s4  }
0x96: {  	s4 =	sld [smem:$0x3FFD];
	_ =	sdelay $0x3  }
0x97: {  	_ =	strace s4  }
0x98: {  	_ =	strace $0x8FFFFFFF  }
0x99: {  	s19 =	sld [smem:$0x3FDB];
	_ =	sdelay $0x1  }
0x9a: {  	s5 =	simm.s32 $_scs_section_size  }
0x9b: {  	s6 =	simm.s32 $_size__tile_overlayer_lowered;
	s7 =	simm.s32 $_tile_overlayer_lowered  }
0x9c: {  	s22 =	simm.s32 $0x1BFF;
	s21 =	sshll.u32 s7, $0x1;
	s4 =	sadd.s32 s5, s19  }
0x9d: {  	s8 =	simm.s32 $0x0;
	s20 =	sshll.u32 s6, $0x1;
	s6 =	sadd.s32 s21, s4  }
0x9e: {  	[timem:s8], [sflag:s22] =	dma.local [hbm:s6], s20  }
0x9f: {  	_ =	swait.ge [sflag:s22], s20  }
0xa0: {  	s5 =	ssub.s32 $0x0, s20;
	[sflag:s22] =	ssyncset.done $0x0  }
0xa1: {  	[sflag:s22] =	ssyncadd.s32 s5;
	_ =	sdelay $0x1  }
0xa2: {  	s23 =	simm.s32 $0x1B8B  }
0xa3: {  	_ =	swait.ge [sflag:s23], $0x1  }
0xa4: {  	[sflag:s23] =	ssyncset.done $0x0  }
0xa5: {  	s25 =	simm.s32 $0x1B8E;
	s24 =	sld [smem:$0x3FFE];
	[sflag:s23] =	ssyncadd.s32 $0xFFFFFFFF  }
0xa6: {  	s26 =	simm.s32 $execute0_lowered;
	[smem:$0x3FD2] =	sst s25  }
0xa7: {  	s6 =	sshll.u32 s26, $0x1;
	_ =	strace $0x80000046;
	[dreg:$0x1] =	wrdreg $0xFFFFFFFF  }
0xa8: {  	s28 =	simm.s32 $_size_execute0_lowered;
	s4 =	sadd.s32 s4, s6;
	[dreg:$0x0] =	wrdreg $0x0  }
0xa9: {  	s6 =	sshll.u32 s28, $0x1;
	[dreg:$0x2] =	wrdreg s4  }
0xaa: {  	[dreg:$0x3] =	wrdreg s6  }
0xab: {  	[dreg:$0x4] =	wrdreg $0xC0  }
0xac: {  	_ =	task [dreg:s8], $0x5FFFF  }
0xad: {  	[dreg:$0x1] =	wrdreg $0xFFFFFFFF  }
0xae: {  	[dreg:$0x0] =	wrdreg $0x60  }
0xaf: {  	[dreg:$0x2] =	wrdreg s18  }
0xb0: {  	[dreg:$0x3] =	wrdreg s24  }
0xb1: {  	[dreg:$0x4] =	wrdreg s2  }
0xb2: {  	[dreg:$0x5] =	wrdreg $0xA0800  }
0xb3: {  	[dreg:$0x6] =	wrdreg $0x1D9000  }
0xb4: {  	[dreg:$0x7] =	wrdreg $0x9  }
0xb5: {  	_ =	task.clear_ibuf [dreg:s8], $0x8FFFF;
	_ =	strace $0x90000046  }
0xb6: {  	s29 =	simm.s32 $0x9;
	_ =	strace $0x80000048  }
0xb7: {  	_ =	swait.ge [sflag:s29], $0x1  }
0xb8: {  	[sflag:s29] =	ssyncadd.s32 $0xFFFFFFFF  }
0xb9: {  	_ =	strace $0x90000048  }
0xba: {  	_ =	sfence  }
0xbb: {  	s30 =	sld [smem:$0x0];
	_ =	sdelay $0x2  }
0xbc: {  	s31 =	sshll.u32 s1, $0xD;
	s1 =	sshrl.u32 s1, $0x2  }
0xbd: {  	s3 =	sand.u32 $0x4000, s31;
	s1 =	sadd.s32 s1, s30  }
0xbe: {  	s0 =	sor.u32 s3, s0;
	s1 =	sshll.u32 s1, $0x11  }
0xbf: {  	s0 =	sor.u32 s1, s0  }
0xc0: {  	s0 =	sadd.s32 $0x8F2B, s0  }
0xc1: {  	[sflag:s0] =	ssyncadd.remote.s32 $0x1  }
0xc2: {  	_ =	sfence.sel $0xFFFF  }
0xc3: {  	[dreg:$0x0] =	wrdreg $0xFFFFFFFF;
	(pc) =	sbr.abs _section_cstart, $3  }
0xc4: {  	[dreg:$0x1] =	wrdreg $0xFFFFFFFF  }
0xc5: {  	_ =	task.clear_ibuf [dreg:s8], $0x2FFFF;
	_ =	strace $0x9FFFFFFF  }
0xc6: {  	(tm) =	ssettm $0x7FFFFFFF  }
0xc7: {  	_ =	shalt  }
tec
execute0_lowered:
.L_overlay_start_1:
0x0: {  	(tag) =	ssettag $0x1  }
0x1: {  	s1 =	rddreg [dreg:$0x0]  }
0x2: {  	s0 =	rddreg [dreg:$0x1]  }
0x3: {  	s2 =	rddreg [dreg:$0x2]  }
0x4: {  	s3 =	rddreg [dreg:$0x3]  }
0x5: {  	s4 =	rddreg [dreg:$0x4]  }
0x6: {  	s17 =	simm.s32 $0x0;
	s5 =	srdreg.scid;
	s18 =	stileid.u32  }
0x7: {  	s28 =	simm.s32 $0x3800;
	s29 =	simm.s32 $0x4C00;
	s30 =	simm.s32 $0x6000  }
0x8: {  	s31 =	simm.s32 $0x7400;
	[smem:$0x7FF] =	sst s17;
	s7 =	sadd.s32 $0x600, s0  }
0x9: {  	s5 =	sand.u32 $0x1, s5;
	s8 =	sadd.s32 $0x23600, s0;
	s12 =	smul.u32 $0xFA0, s18  }
0xa: {  	s9 =	sshll.u32 s18, $0x1;
	s11 =	sshll.u32 s18, $0xA;
	s14 =	smul.u32 $0x7D000, s18  }
0xb: {  	s10 =	sadd.s32 $0x28000, s0;
	s15 =	smul.u32 $0x1F400, s18;
	p0 =	sgt.u32 s18, $0x9  }
0xc: {  	_ =	strace $0x80000047;
	s6 =	smul.u32 $0x2800, s5;
	s13 =	ssub.s32 $0x2, s5  }
0xd: {  	s9 =	sor.u32 s5, s9;
	s5 =	smul.u32 $0x9C4000, s5;
	s19 =	sshrl.u32 s13, $0x1  }
0xe: {  	s12 =	sshrl.u32 s12, $0x2;
	s20 =	smul.u32 $0x1180, s9;
	s21 =	sshrl.u32 s14, $0x2  }
0xf: {  	s6 =	sadd.s32 s11, s6;
	s11 =	smul.u32 $0x5, s9;
	s14 =	sadd.s32 s21, s3  }
0x10: {  	s16 =	sadd.s32 s5, s15;
	s6 =	sshrl.u32 s6, $0x3;
	s22 =	sadd.s32 s7, s20  }
0x11: {  	s0 =	sadd.s32 s6, s0;
	s24 =	sadd.s32 $0x380, s22;
	[dreg:$0x9] =	wrdreg s22  }
0x12: {  	s6 =	ssub.s32 s13, s19;
	s25 =	sadd.s32 $0x700, s22;
	[dreg:$0xb] =	wrdreg s24  }
0x13: {  	s19 =	sadd.s32 s12, s4;
	s26 =	sadd.s32 $0xA80, s22;
	[dreg:$0xc] =	wrdreg s25  }
0x14: {  	s13 =	simm.s32 $0x1;
	s0 =	sadd.s32 $0x27600, s0;
	[dreg:$0xd] =	wrdreg s26  }
0x15: {  	s23 =	smax.u32 s6, $0x1;
	s24 =	simm.s32 $0x28;
	[dreg:$0x7] =	wrdreg s19  }
0x16: {  	s25 =	simm.s32 $0x9C00;
	s26 =	simm.s32 $0x3;
	[dreg:$0x8] =	wrdreg s0  }
0x17: {  	[dreg:$0xa] =	wrdreg s23;
	s0 =	sadd.s32 $0xE00, s22;
	s22 =	simm.s32 $0x1C00  }
0x18: {  	v0 =	vimm.f32 $1.000000000e+00;
	v1 =	vimm.f32 $0.0e+00;
	s23 =	simm.s32 $0x2;
	[dreg:$0xe] =	wrdreg s0;
	s0 =	simm.s32 $0x8800  }
.LBB2_1:
0x19: {  	[tilespmem:$0x9C00] =	vst v0  }
0x1a: {  	[tilespmem:$0x9C10] =	vst v0  }
0x1b: {  	[tilespmem:$0x9C20] =	vst v0;
	s5 =	simm.s32 $0x40;
	s6 =	simm.s32 $0x0  }
.LBB2_2:
0x1c: {  	p1 =	sne.s32 s5, $0xF40;
	[tilespmem:s6+$0x9C80] =	vst v1;
	s6 =	smov.u32 s5;
	s5 =	sadd.s32 $0x40, s5  }
.Ltmp0:
0x1d: {  	(pc) =	sbr.rel @p1 .LBB2_2-.Ltmp0, $2  }
0x1e: {  	_ =	sdelay $0x2  }
0x1f: {  	s6 =	sshra.s32 s6, $0x2  }
0x20: {  	[tilespmem:s6+$0x9C80] =	vst v1;
	s5 =	simm.s32 @!p0 $0x9C80  }
0x21: {  	[spmem:s19] =	stream.linear.scatter @!p0 [tilespmem:s5], [sflag:$0x2], $0x3E8, $0x38;
	[tilespmem:$0x1DB78] =	vst v63  }
0x22: {  	s5 =	simm.s32 @!p0 $0x2  }
0x23: {  	_ =	swait.ge @!p0 [sflag:s5], $0x3E8  }
0x24: {  	[sflag:s5] =	ssyncset.done @!p0 $0x0  }
0x25: {  	[sflag:s5] =	ssyncadd.s32 @!p0 $0xFFFFFC18  }
0x26: {  	[bflag:$0x0] =	sbarrier.arrive $0xFFFF  }
0x27: {  	s18 =	simm.s32 $0x0;
	s20 =	rddreg [dreg:$0x9]  }
0x28: {  	[tilespmem:s22], [sflag:$0x2] =	stream.linear.gather [hbm4b:s20+s18], $0x1900, $0x38;
	[tilespmem:$0x1DB78] =	vst v63  }
0x29: {  	_ =	swait.ge [sflag:s23], $0x1900  }
0x2a: {  	[sflag:s23] =	ssyncset.done $0x0  }
0x2b: {  	s21 =	simm.s32 $0x1C00;
	[sflag:s23] =	ssyncadd.s32 $0xFFFFE700  }
0x2c: {  	[spmem:s4] =	stream.indirect.scatter.add.f32 [tilespmem:s25], [sflag:$0x2], $0x1, s21, s24, $0xb8;
	[tilespmem:$0x1DB78] =	vst v63  }
0x2d: {  	s5 =	simm.s32 $0x200;
	_ =	swait.ge [sflag:s23], $0x28  }
.LBB2_4:
0x2e: {  	s6 =	sshra.s32 s5, $0x2;
	[sflag:s23] =	ssyncset.done $0x0;
	p1 =	sne.s32 s5, $0x6200  }
.Ltmp1:
0x2f: {  	s6 =	sadd.s32 $0x1C00, s6;
	[sflag:s23] =	ssyncadd.s32 $0xFFFFFFD8;
	(pc) =	sbr.rel @p1 .LBB2_4-.Ltmp1, $3  }
0x30: {  	[spmem:s4] =	stream.indirect.scatter.add.f32 [tilespmem:s25], [sflag:$0x2], $0x1, s6, s24, $0xb8;
	[tilespmem:$0x1DB78] =	vst v63  }
0x31: {  	s5 =	sadd.s32 $0x200, s5;
	_ =	sdelay $0x1  }
0x32: {  	_ =	swait.ge [sflag:s23], $0x28  }
0x33: {  	[sflag:s23] =	ssyncset.done $0x0  }
0x34: {  	s5 =	simm.s32 $0x0;
	s6 =	rddreg [dreg:$0xb];
	[sflag:s23] =	ssyncadd.s32 $0xFFFFFFD8  }
0x35: {  	[tilespmem:s22], [sflag:$0x2] =	stream.linear.gather [hbm4b:s6+s5], $0x1900, $0x38;
	[tilespmem:$0x1DB78] =	vst v63  }
0x36: {  	_ =	swait.ge [sflag:s23], $0x1900  }
0x37: {  	[sflag:s23] =	ssyncset.done $0x0  }
0x38: {  	s21 =	simm.s32 $0x1C00;
	[sflag:s23] =	ssyncadd.s32 $0xFFFFE700  }
0x39: {  	[spmem:s4] =	stream.indirect.scatter.add.f32 [tilespmem:s25], [sflag:$0x2], $0x1, s21, s24, $0xb8;
	[tilespmem:$0x1DB78] =	vst v63  }
0x3a: {  	s5 =	simm.s32 $0x200;
	_ =	swait.ge [sflag:s23], $0x28  }
.LBB2_6:
0x3b: {  	s6 =	sshra.s32 s5, $0x2;
	[sflag:s23] =	ssyncset.done $0x0;
	p1 =	sne.s32 s5, $0x6200  }
.Ltmp2:
0x3c: {  	s6 =	sadd.s32 $0x1C00, s6;
	[sflag:s23] =	ssyncadd.s32 $0xFFFFFFD8;
	(pc) =	sbr.rel @p1 .LBB2_6-.Ltmp2, $3  }
0x3d: {  	[spmem:s4] =	stream.indirect.scatter.add.f32 [tilespmem:s25], [sflag:$0x2], $0x1, s6, s24, $0xb8;
	[tilespmem:$0x1DB78] =	vst v63  }
0x3e: {  	s5 =	sadd.s32 $0x200, s5;
	_ =	sdelay $0x1  }
0x3f: {  	_ =	swait.ge [sflag:s23], $0x28  }
0x40: {  	[sflag:s23] =	ssyncset.done $0x0  }
0x41: {  	s5 =	simm.s32 $0x0;
	s6 =	rddreg [dreg:$0xc];
	[sflag:s23] =	ssyncadd.s32 $0xFFFFFFD8  }
0x42: {  	[tilespmem:s22], [sflag:$0x2] =	stream.linear.gather [hbm4b:s6+s5], $0x1900, $0x38;
	[tilespmem:$0x1DB78] =	vst v63  }
0x43: {  	_ =	swait.ge [sflag:s23], $0x1900  }
0x44: {  	[sflag:s23] =	ssyncset.done $0x0  }
0x45: {  	s21 =	simm.s32 $0x1C00;
	[sflag:s23] =	ssyncadd.s32 $0xFFFFE700  }
0x46: {  	[spmem:s4] =	stream.indirect.scatter.add.f32 [tilespmem:s25], [sflag:$0x2], $0x1, s21, s24, $0xb8;
	[tilespmem:$0x1DB78] =	vst v63  }
0x47: {  	s5 =	simm.s32 $0x200;
	_ =	swait.ge [sflag:s23], $0x28  }
.LBB2_8:
0x48: {  	s6 =	sshra.s32 s5, $0x2;
	[sflag:s23] =	ssyncset.done $0x0;
	p1 =	sne.s32 s5, $0x6200  }
.Ltmp3:
0x49: {  	s6 =	sadd.s32 $0x1C00, s6;
	[sflag:s23] =	ssyncadd.s32 $0xFFFFFFD8;
	(pc) =	sbr.rel @p1 .LBB2_8-.Ltmp3, $3  }
0x4a: {  	[spmem:s4] =	stream.indirect.scatter.add.f32 [tilespmem:s25], [sflag:$0x2], $0x1, s6, s24, $0xb8;
	[tilespmem:$0x1DB78] =	vst v63  }
0x4b: {  	s5 =	sadd.s32 $0x200, s5;
	_ =	sdelay $0x1  }
0x4c: {  	_ =	swait.ge [sflag:s23], $0x28  }
0x4d: {  	[sflag:s23] =	ssyncset.done $0x0  }
0x4e: {  	s5 =	simm.s32 $0x0;
	s6 =	rddreg [dreg:$0xd];
	[sflag:s23] =	ssyncadd.s32 $0xFFFFFFD8  }
0x4f: {  	[tilespmem:s22], [sflag:$0x2] =	stream.linear.gather [hbm4b:s6+s5], $0x1900, $0x38;
	[tilespmem:$0x1DB78] =	vst v63  }
0x50: {  	_ =	swait.ge [sflag:s23], $0x1900  }
0x51: {  	[sflag:s23] =	ssyncset.done $0x0  }
0x52: {  	s21 =	simm.s32 $0x1C00;
	[sflag:s23] =	ssyncadd.s32 $0xFFFFE700  }
0x53: {  	[spmem:s4] =	stream.indirect.scatter.add.f32 [tilespmem:s25], [sflag:$0x2], $0x1, s21, s24, $0xb8;
	[tilespmem:$0x1DB78] =	vst v63  }
0x54: {  	s5 =	simm.s32 $0x200;
	_ =	swait.ge [sflag:s23], $0x28  }
.LBB2_10:
0x55: {  	s6 =	sshra.s32 s5, $0x2;
	[sflag:s23] =	ssyncset.done $0x0;
	p1 =	sne.s32 s5, $0x6200  }
.Ltmp4:
0x56: {  	s6 =	sadd.s32 $0x1C00, s6;
	[sflag:s23] =	ssyncadd.s32 $0xFFFFFFD8;
	(pc) =	sbr.rel @p1 .LBB2_10-.Ltmp4, $3  }
0x57: {  	[spmem:s4] =	stream.indirect.scatter.add.f32 [tilespmem:s25], [sflag:$0x2], $0x1, s6, s24, $0xb8;
	[tilespmem:$0x1DB78] =	vst v63  }
0x58: {  	s5 =	sadd.s32 $0x200, s5;
	_ =	sdelay $0x1  }
0x59: {  	_ =	swait.ge [sflag:s23], $0x28  }
0x5a: {  	[dreg:$0x6] =	wrdreg s17;
	[sflag:s23] =	ssyncset.done $0x0  }
0x5b: {  	s5 =	simm.s32 $0x0;
	s6 =	rddreg [dreg:$0xe];
	[sflag:s23] =	ssyncadd.s32 $0xFFFFFFD8  }
0x5c: {  	[tilespmem:s22], [sflag:$0x2] =	stream.linear.gather [hbm4b:s6+s5], $0x1900, $0x38;
	[tilespmem:$0x1DB78] =	vst v63  }
0x5d: {  	_ =	swait.ge [sflag:s23], $0x1900  }
0x5e: {  	[sflag:s23] =	ssyncset.done $0x0  }
0x5f: {  	s21 =	simm.s32 $0x1C00;
	[sflag:s23] =	ssyncadd.s32 $0xFFFFE700  }
0x60: {  	[spmem:s4] =	stream.indirect.scatter.add.f32 [tilespmem:s25], [sflag:$0x2], $0x1, s21, s24, $0xb8;
	[tilespmem:$0x1DB78] =	vst v63  }
0x61: {  	s5 =	simm.s32 $0x200;
	_ =	swait.ge [sflag:s23], $0x28  }
.LBB2_12:
0x62: {  	s6 =	sshra.s32 s5, $0x2;
	[sflag:s23] =	ssyncset.done $0x0;
	p1 =	sne.s32 s5, $0x6200  }
.Ltmp5:
0x63: {  	s6 =	sadd.s32 $0x1C00, s6;
	[sflag:s23] =	ssyncadd.s32 $0xFFFFFFD8;
	(pc) =	sbr.rel @p1 .LBB2_12-.Ltmp5, $3  }
0x64: {  	[spmem:s4] =	stream.indirect.scatter.add.f32 [tilespmem:s25], [sflag:$0x2], $0x1, s6, s24, $0xb8;
	[tilespmem:$0x1DB78] =	vst v63  }
0x65: {  	s5 =	sadd.s32 $0x200, s5;
	_ =	sdelay $0x1  }
0x66: {  	_ =	swait.ge [sflag:s23], $0x28  }
0x67: {  	[sflag:s23] =	ssyncset.done $0x0  }
0x68: {  	[sflag:s23] =	ssyncadd.s32 $0xFFFFFFD8  }
0x69: {  	s5 =	simm.s32 @!p0 $0x9C80;
	s6 =	simm.s32 @!p0 $0x2;
	[bflag:$0x0] =	sbarrier.arrive $0xFFFF  }
0x6a: {  	[tilespmem:s5], [sflag:$0x2] =	stream.linear.gather @!p0 [spmem:s19], $0x3E8, $0x38;
	[tilespmem:$0x1DB78] =	vst v63  }
0x6b: {  	_ =	swait.ge @!p0 [sflag:s6], $0x3E8  }
0x6c: {  	[sflag:s6] =	ssyncset.done @!p0 $0x0  }
0x6d: {  	s12 =	simm.s32 @!p0 $0x0;
	s15 =	rddreg [dreg:$0x8];
	[sflag:s6] =	ssyncadd.s32 @!p0 $0xFFFFFC18  }
0x6e: {  	[hbm4b:s15+s12] =	stream.linear.scatter @!p0 [tilespmem:s5], [sflag:$0x2], $0x400, $0x38;
	[tilespmem:$0x1DB78] =	vst v63  }
0x6f: {  	_ =	swait.ge @!p0 [sflag:s6], $0x400  }
0x70: {  	[sflag:s6] =	ssyncset.done @!p0 $0x0  }
0x71: {  	s17 =	simm.s32 $0x0;
	[sflag:s6] =	ssyncadd.s32 @!p0 $0xFFFFFC00  }
.LBB2_14:
0x72: {  	s5 =	stileid.u32  }
0x73: {  	s18 =	sshll.u32 @!p0 s5, $0x6  }
0x74: {  	s19 =	sshrl.u32 @!p0 s14, $0x3;
	s5 =	sor.u32 @!p0 $0x1C03, s18  }
0x75: {  	[spmem:s19], [sflag:s5] =	dma.local @!p0 [hbm:s8], $0x3E80  }
0x76: {  	s5 =	simm.s32 @!p0 $0x3  }
0x77: {  	_ =	swait.ge @!p0 [sflag:s5], $0x3E80  }
0x78: {  	s6 =	sshll.u32 s17, $0x5;
	[sflag:s5] =	ssyncset.done @!p0 $0x0  }
0x79: {  	s21 =	sor.u32 s9, s6;
	[sflag:s5] =	ssyncadd.s32 @!p0 $0xFFFFC180  }
0x7a: {  	s20 =	smul.u32 $0x5, s21;
	s21 =	simm.s32 $0x0;
	[bflag:$0x0] =	sbarrier.arrive $0xFFFF  }
.LBB2_15:
0x7b: {  	_ = 	snop  }
0x7c: {  	s5 =	sadd.s32 s20, s21  }
0x7d: {  	s5 =	smul.u32 $0x380, s5;
	_ =	sdelay $0x1  }
0x7e: {  	s6 =	simm.s32 $0x0;
	s12 =	sadd.s32 s11, s21;
	s5 =	sadd.s32 s1, s5  }
0x7f: {  	[tilespmem:s6], [sflag:$0x3] =	stream.linear.gather [hbm4b:s5+s6], $0x1900, $0x38;
	[tilespmem:$0x1DB78] =	vst v63  }
0x80: {  	s5 =	smul.u32 $0x380, s12;
	_ =	swait.ge [sflag:s26], $0x1900  }
0x81: {  	[sflag:s26] =	ssyncset.done $0x0  }
0x82: {  	s5 =	sadd.s32 s7, s5;
	[sflag:s26] =	ssyncadd.s32 $0xFFFFE700  }
0x83: {  	[tilespmem:s22], [sflag:$0x3] =	stream.linear.gather [hbm4b:s5+s6], $0x1900, $0x38;
	[tilespmem:$0x1DB78] =	vst v63  }
0x84: {  	_ =	swait.ge [sflag:s26], $0x1900  }
0x85: {  	[sflag:s26] =	ssyncset.done $0x0  }
0x86: {  	s15 =	simm.s32 $0x0;
	[sflag:s26] =	ssyncadd.s32 $0xFFFFE700  }
0x87: {  	[tilespmem:s28], [sflag:$0x1] =	stream.indirect.gather [hbm4b:s2+s24], $0x80, s15, s24, $0xb8;
	[tilespmem:$0x1DB78] =	vst v63  }
0x88: {  	s6 =	simm.s32 $0x80  }
0x89: {  	[tilespmem:s29], [sflag:$0x1] =	stream.indirect.gather [hbm4b:s2+s24], $0x80, s6, s24, $0xb8;
	[tilespmem:$0x1DB78] =	vst v63  }
0x8a: {  	s12 =	simm.s32 $0x100  }
0x8b: {  	[tilespmem:s30], [sflag:$0x1] =	stream.indirect.gather [hbm4b:s2+s24], $0x80, s12, s24, $0xb8;
	[tilespmem:$0x1DB78] =	vst v63  }
0x8c: {  	s15 =	simm.s32 $0x180  }
0x8d: {  	[tilespmem:s31], [sflag:$0x1] =	stream.indirect.gather [hbm4b:s2+s24], $0x80, s15, s24, $0xb8;
	[tilespmem:$0x1DB78] =	vst v63  }
0x8e: {  	s6 =	simm.s32 $0x200  }
0x8f: {  	[tilespmem:s0], [sflag:$0x1] =	stream.indirect.gather [hbm4b:s2+s24], $0x80, s6, s24, $0xb8;
	[tilespmem:$0x1DB78] =	vst v63  }
0x90: {  	_ =	swait.ge [sflag:s13], $0x1400  }
0x91: {  	[sflag:s13] =	ssyncset.done $0x0  }
0x92: {  	[sflag:s13] =	ssyncadd.s32 $0xFFFFEC00  }
0x93: {  	_ =	swait.ge [sflag:s13], $0x1400  }
0x94: {  	[sflag:s13] =	ssyncset.done $0x0  }
0x95: {  	[sflag:s13] =	ssyncadd.s32 $0xFFFFEC00  }
0x96: {  	_ =	swait.ge [sflag:s13], $0x1400  }
0x97: {  	[sflag:s13] =	ssyncset.done $0x0  }
0x98: {  	[sflag:s13] =	ssyncadd.s32 $0xFFFFEC00  }
0x99: {  	_ =	swait.ge [sflag:s13], $0x1400  }
0x9a: {  	[sflag:s13] =	ssyncset.done $0x0  }
0x9b: {  	[sflag:s13] =	ssyncadd.s32 $0xFFFFEC00  }
0x9c: {  	_ =	swait.ge [sflag:s13], $0x1400  }
0x9d: {  	[sflag:s13] =	ssyncset.done $0x0  }
0x9e: {  	s12 =	simm.s32 $0x1C00;
	[sflag:s13] =	ssyncadd.s32 $0xFFFFEC00  }
0x9f: {  	[spmem:s3] =	stream.indirect.scatter.add.f32 [tilespmem:s28], [sflag:$0x3], $0x80, s12, s24, $0xb8;
	[tilespmem:$0x1DB78] =	vst v63  }
0xa0: {  	_ =	swait.ge [sflag:s26], $0x1400  }
0xa1: {  	[sflag:s26] =	ssyncset.done $0x0  }
0xa2: {  	s15 =	simm.s32 $0x1C80;
	[sflag:s26] =	ssyncadd.s32 $0xFFFFEC00  }
0xa3: {  	[spmem:s3] =	stream.indirect.scatter.add.f32 [tilespmem:s29], [sflag:$0x3], $0x80, s15, s24, $0xb8;
	[tilespmem:$0x1DB78] =	vst v63  }
0xa4: {  	_ =	swait.ge [sflag:s26], $0x1400  }
0xa5: {  	[sflag:s26] =	ssyncset.done $0x0  }
0xa6: {  	s6 =	simm.s32 $0x1D00;
	[sflag:s26] =	ssyncadd.s32 $0xFFFFEC00  }
0xa7: {  	[spmem:s3] =	stream.indirect.scatter.add.f32 [tilespmem:s30], [sflag:$0x3], $0x80, s6, s24, $0xb8;
	[tilespmem:$0x1DB78] =	vst v63  }
0xa8: {  	_ =	swait.ge [sflag:s26], $0x1400  }
0xa9: {  	[sflag:s26] =	ssyncset.done $0x0  }
0xaa: {  	s12 =	simm.s32 $0x1D80;
	[sflag:s26] =	ssyncadd.s32 $0xFFFFEC00  }
0xab: {  	[spmem:s3] =	stream.indirect.scatter.add.f32 [tilespmem:s31], [sflag:$0x3], $0x80, s12, s24, $0xb8;
	[tilespmem:$0x1DB78] =	vst v63  }
0xac: {  	_ =	swait.ge [sflag:s26], $0x1400  }
0xad: {  	[sflag:s26] =	ssyncset.done $0x0  }
0xae: {  	s15 =	simm.s32 $0x1E00;
	[sflag:s26] =	ssyncadd.s32 $0xFFFFEC00  }
0xaf: {  	[spmem:s3] =	stream.indirect.scatter.add.f32 [tilespmem:s0], [sflag:$0x3], $0x80, s15, s24, $0xb8;
	[tilespmem:$0x1DB78] =	vst v63  }
0xb0: {  	_ =	swait.ge [sflag:s26], $0x1400  }
0xb1: {  	s12 =	simm.s32 $0x1400;
	s15 =	simm.s32 $0xA00;
	[sflag:s26] =	ssyncset.done $0x0  }
.LBB2_16:
0xb2: {  	s5 =	sshra.s32 s15, $0x2  }
0xb3: {  	[sflag:s26] =	ssyncadd.s32 $0xFFFFEC00;
	s15 =	smov.u32 s12;
	s6 =	sadd.s32 $0xA00, s12  }
0xb4: {  	[tilespmem:s28], [sflag:$0x1] =	stream.indirect.gather [hbm4b:s2+s24], $0x80, s5, s24, $0xb8;
	[tilespmem:$0x1DB78] =	vst v63  }
0xb5: {  	p1 =	sne.s32 s12, $0x5A00;
	s12 =	sadd.s32 $0x80, s5  }
0xb6: {  	[tilespmem:s29], [sflag:$0x1] =	stream.indirect.gather [hbm4b:s2+s24], $0x80, s12, s24, $0xb8;
	[tilespmem:$0x1DB78] =	vst v63  }
0xb7: {  	s12 =	sadd.s32 $0x100, s5  }
0xb8: {  	[tilespmem:s30], [sflag:$0x1] =	stream.indirect.gather [hbm4b:s2+s24], $0x80, s12, s24, $0xb8;
	[tilespmem:$0x1DB78] =	vst v63  }
0xb9: {  	s12 =	sadd.s32 $0x180, s5  }
0xba: {  	[tilespmem:s31], [sflag:$0x1] =	stream.indirect.gather [hbm4b:s2+s24], $0x80, s12, s24, $0xb8;
	[tilespmem:$0x1DB78] =	vst v63  }
0xbb: {  	s12 =	sadd.s32 $0x200, s5  }
0xbc: {  	[tilespmem:s0], [sflag:$0x1] =	stream.indirect.gather [hbm4b:s2+s24], $0x80, s12, s24, $0xb8;
	[tilespmem:$0x1DB78] =	vst v63  }
0xbd: {  	_ =	swait.ge [sflag:s13], $0x1400  }
0xbe: {  	[sflag:s13] =	ssyncset.done $0x0  }
0xbf: {  	[sflag:s13] =	ssyncadd.s32 $0xFFFFEC00  }
0xc0: {  	_ =	swait.ge [sflag:s13], $0x1400  }
0xc1: {  	[sflag:s13] =	ssyncset.done $0x0  }
0xc2: {  	[sflag:s13] =	ssyncadd.s32 $0xFFFFEC00  }
0xc3: {  	_ =	swait.ge [sflag:s13], $0x1400  }
0xc4: {  	[sflag:s13] =	ssyncset.done $0x0  }
0xc5: {  	[sflag:s13] =	ssyncadd.s32 $0xFFFFEC00  }
0xc6: {  	_ =	swait.ge [sflag:s13], $0x1400  }
0xc7: {  	[sflag:s13] =	ssyncset.done $0x0  }
0xc8: {  	[sflag:s13] =	ssyncadd.s32 $0xFFFFEC00  }
0xc9: {  	_ =	swait.ge [sflag:s13], $0x1400  }
0xca: {  	[sflag:s13] =	ssyncset.done $0x0  }
0xcb: {  	s12 =	sadd.s32 $0x1C00, s5;
	[sflag:s13] =	ssyncadd.s32 $0xFFFFEC00  }
0xcc: {  	[spmem:s3] =	stream.indirect.scatter.add.f32 [tilespmem:s28], [sflag:$0x3], $0x80, s12, s24, $0xb8;
	[tilespmem:$0x1DB78] =	vst v63  }
0xcd: {  	_ =	swait.ge [sflag:s26], $0x1400  }
0xce: {  	[sflag:s26] =	ssyncset.done $0x0  }
0xcf: {  	s12 =	sadd.s32 $0x1C80, s5;
	[sflag:s26] =	ssyncadd.s32 $0xFFFFEC00  }
0xd0: {  	[spmem:s3] =	stream.indirect.scatter.add.f32 [tilespmem:s29], [sflag:$0x3], $0x80, s12, s24, $0xb8;
	[tilespmem:$0x1DB78] =	vst v63  }
0xd1: {  	_ =	swait.ge [sflag:s26], $0x1400  }
0xd2: {  	[sflag:s26] =	ssyncset.done $0x0  }
0xd3: {  	s12 =	sadd.s32 $0x1D00, s5;
	[sflag:s26] =	ssyncadd.s32 $0xFFFFEC00  }
0xd4: {  	[spmem:s3] =	stream.indirect.scatter.add.f32 [tilespmem:s30], [sflag:$0x3], $0x80, s12, s24, $0xb8;
	[tilespmem:$0x1DB78] =	vst v63  }
0xd5: {  	_ =	swait.ge [sflag:s26], $0x1400  }
0xd6: {  	[sflag:s26] =	ssyncset.done $0x0  }
0xd7: {  	s12 =	sadd.s32 $0x1D80, s5;
	[sflag:s26] =	ssyncadd.s32 $0xFFFFEC00  }
0xd8: {  	[spmem:s3] =	stream.indirect.scatter.add.f32 [tilespmem:s31], [sflag:$0x3], $0x80, s12, s24, $0xb8;
	[tilespmem:$0x1DB78] =	vst v63  }
0xd9: {  	_ =	swait.ge [sflag:s26], $0x1400  }
.Ltmp6:
0xda: {  	[sflag:s26] =	ssyncset.done $0x0;
	(pc) =	sbr.rel @p1 .LBB2_16-.Ltmp6, $4  }
0xdb: {  	s5 =	sadd.s32 $0x1E00, s5;
	[sflag:s26] =	ssyncadd.s32 $0xFFFFEC00  }
0xdc: {  	[spmem:s3] =	stream.indirect.scatter.add.f32 [tilespmem:s0], [sflag:$0x3], $0x80, s5, s24, $0xb8;
	[tilespmem:$0x1DB78] =	vst v63  }
0xdd: {  	_ =	swait.ge [sflag:s26], $0x1400  }
0xde: {  	s12 =	smov.u32 s6;
	[sflag:s26] =	ssyncset.done $0x0  }
0xdf: {  	s5 =	sshra.s32 s15, $0x2;
	[sflag:s26] =	ssyncadd.s32 $0xFFFFEC00  }
0xe0: {  	[tilespmem:s28], [sflag:$0x1] =	stream.indirect.gather [hbm4b:s2+s24], $0x80, s5, s24, $0xb8;
	[tilespmem:$0x1DB78] =	vst v63  }
0xe1: {  	s6 =	sadd.s32 $0x80, s5  }
0xe2: {  	[tilespmem:s29], [sflag:$0x1] =	stream.indirect.gather [hbm4b:s2+s24], $0x80, s6, s24, $0xb8;
	[tilespmem:$0x1DB78] =	vst v63  }
0xe3: {  	s15 =	sadd.s32 $0x100, s5  }
0xe4: {  	[tilespmem:s30], [sflag:$0x1] =	stream.indirect.gather [hbm4b:s2+s24], $0x80, s15, s24, $0xb8;
	[tilespmem:$0x1DB78] =	vst v63  }
0xe5: {  	s12 =	sadd.s32 $0x180, s5  }
0xe6: {  	[tilespmem:s31], [sflag:$0x1] =	stream.indirect.gather [hbm4b:s2+s24], $0x80, s12, s24, $0xb8;
	[tilespmem:$0x1DB78] =	vst v63  }
0xe7: {  	s15 =	sadd.s32 $0x200, s5  }
0xe8: {  	[tilespmem:s0], [sflag:$0x1] =	stream.indirect.gather [hbm4b:s2+s24], $0x80, s15, s24, $0xb8;
	[tilespmem:$0x1DB78] =	vst v63  }
0xe9: {  	_ =	swait.ge [sflag:s13], $0x1400  }
0xea: {  	[sflag:s13] =	ssyncset.done $0x0  }
0xeb: {  	[sflag:s13] =	ssyncadd.s32 $0xFFFFEC00  }
0xec: {  	_ =	swait.ge [sflag:s13], $0x1400  }
0xed: {  	[sflag:s13] =	ssyncset.done $0x0  }
0xee: {  	[sflag:s13] =	ssyncadd.s32 $0xFFFFEC00  }
0xef: {  	_ =	swait.ge [sflag:s13], $0x1400  }
0xf0: {  	[sflag:s13] =	ssyncset.done $0x0  }
0xf1: {  	[sflag:s13] =	ssyncadd.s32 $0xFFFFEC00  }
0xf2: {  	_ =	swait.ge [sflag:s13], $0x1400  }
0xf3: {  	[sflag:s13] =	ssyncset.done $0x0  }
0xf4: {  	[sflag:s13] =	ssyncadd.s32 $0xFFFFEC00  }
0xf5: {  	_ =	swait.ge [sflag:s13], $0x1400  }
0xf6: {  	[sflag:s13] =	ssyncset.done $0x0  }
0xf7: {  	s12 =	sadd.s32 $0x1C00, s5;
	[sflag:s13] =	ssyncadd.s32 $0xFFFFEC00  }
0xf8: {  	[spmem:s3] =	stream.indirect.scatter.add.f32 [tilespmem:s28], [sflag:$0x3], $0x80, s12, s24, $0xb8;
	[tilespmem:$0x1DB78] =	vst v63  }
0xf9: {  	_ =	swait.ge [sflag:s26], $0x1400  }
0xfa: {  	[sflag:s26] =	ssyncset.done $0x0  }
0xfb: {  	s15 =	sadd.s32 $0x1C80, s5;
	[sflag:s26] =	ssyncadd.s32 $0xFFFFEC00  }
0xfc: {  	[spmem:s3] =	stream.indirect.scatter.add.f32 [tilespmem:s29], [sflag:$0x3], $0x80, s15, s24, $0xb8;
	[tilespmem:$0x1DB78] =	vst v63  }
0xfd: {  	_ =	swait.ge [sflag:s26], $0x1400  }
0xfe: {  	[sflag:s26] =	ssyncset.done $0x0  }
0xff: {  	s12 =	sadd.s32 $0x1D00, s5;
	[sflag:s26] =	ssyncadd.s32 $0xFFFFEC00  }
0x100: {  	[spmem:s3] =	stream.indirect.scatter.add.f32 [tilespmem:s30], [sflag:$0x3], $0x80, s12, s24, $0xb8;
	[tilespmem:$0x1DB78] =	vst v63  }
0x101: {  	_ =	swait.ge [sflag:s26], $0x1400  }
0x102: {  	[sflag:s26] =	ssyncset.done $0x0  }
0x103: {  	s15 =	sadd.s32 $0x1D80, s5;
	[sflag:s26] =	ssyncadd.s32 $0xFFFFEC00  }
0x104: {  	[spmem:s3] =	stream.indirect.scatter.add.f32 [tilespmem:s31], [sflag:$0x3], $0x80, s15, s24, $0xb8;
	[tilespmem:$0x1DB78] =	vst v63  }
0x105: {  	s21 =	sadd.s32 $0x1, s21;
	_ =	swait.ge [sflag:s26], $0x1400  }
0x106: {  	p1 =	sne.s32 s21, $0x5;
	[sflag:s26] =	ssyncset.done $0x0  }
.Ltmp7:
0x107: {  	s5 =	sadd.s32 $0x1E00, s5;
	[sflag:s26] =	ssyncadd.s32 $0xFFFFEC00;
	(pc) =	sbr.rel @p1 .LBB2_15-.Ltmp7, $4  }
0x108: {  	[spmem:s3] =	stream.indirect.scatter.add.f32 [tilespmem:s0], [sflag:$0x3], $0x80, s5, s24, $0xb8;
	[tilespmem:$0x1DB78] =	vst v63  }
0x109: {  	_ =	swait.ge [sflag:s26], $0x1400  }
0x10a: {  	[sflag:s26] =	ssyncset.done $0x0  }
0x10b: {  	[sflag:s26] =	ssyncadd.s32 $0xFFFFEC00  }
0x10c: {  	s5 =	smul.u32 @!p0 $0x138800, s17;
	_ =	sdelay $0x1  }
0x10d: {  	s5 =	sadd.s32 @!p0 s5, s16  }
0x10e: {  	[bflag:$0x0] =	sbarrier.arrive $0xFFFF;
	s17 =	sadd.s32 $0x1, s17;
	s5 =	sshrl.u32 @!p0 s5, $0x3  }
0x10f: {  	s6 =	sor.u32 @!p0 $0x1C02, s18;
	p1 =	sne.s32 s17, $0x8;
	s5 =	sadd.s32 @!p0 s10, s5  }
0x110: {  	[hbm:s5], [sflag:s6] =	dma.local @!p0 [spmem:s19], $0x3E80  }
.Ltmp8:
0x111: {  	_ = 	snop;
	(pc) =	sbr.rel @p1 .LBB2_14-.Ltmp8, $4  }
0x112: {  	s5 =	simm.s32 @!p0 $0x2  }
0x113: {  	_ =	swait.ge @!p0 [sflag:s5], $0x3E80  }
0x114: {  	[sflag:s5] =	ssyncset.done @!p0 $0x0  }
0x115: {  	[sflag:s5] =	ssyncadd.s32 @!p0 $0xFFFFC180  }
0x116: {  	s17 =	rddreg [dreg:$0x6]  }
0x117: {  	s5 =	rddreg [dreg:$0xa];
	s17 =	sadd.s32 $0x1, s17  }
0x118: {  	p1 =	sne.s32 s17, s5  }
.Ltmp9:
0x119: {  	_ = 	snop;
	(pc) =	sbr.rel @p1 .LBB2_1-.Ltmp9, $2  }
0x11a: {  	_ =	sdelay $0x2  }
0x11b: {  	s19 =	rddreg [dreg:$0x7]  }
0x11c: {  	_ =	sfence.sel $0x180000  }
0x11d: {  	[bflag:$0x0] =	sbarrier.arrive $0xFFFF  }
0x11e: {  	_ =	strace $0x90000047  }
0x11f: {  	s0 =	stileid.u32;
	[bflag:$0x2] =	sbarrier.arrive $0xFFFF  }
0x120: {  	p0 =	sne.s32 s0, $0x0;
	s0 =	rddreg [dreg:$0x5]  }
0x121: {  	s0 =	sadd.s32 @!p0 $0x100000, s0  }
0x122: {  	[sflag:s0] =	ssyncadd.tile.s32 @!p0 $0x1;
	_ =	shalt  }
.Lfunc_end2:
_tile_overlayer_lowered:
.L_overlay_start_2:
0x123: {  	(tag) =	ssettag $0x2  }
0x124: {  	s0 =	rddreg [dreg:$0x0];
	s2 =	stileid.u32  }
0x125: {  	s1 =	rddreg [dreg:$0x1];
	p0 =	sne.s32 s2, $0x0  }
0x126: {  	s3 =	rddreg [dreg:$0x2];
	[bflag:$0x3] =	sbarrier.arrive $0xFFFF;
	s2 =	simm.s32 @!p0 $0x1C02  }
0x127: {  	[timem:s3], [sflag:s2] =	dma.local @!p0 [hbm:s0], s1  }
0x128: {  	s0 =	simm.s32 @!p0 $0x2  }
0x129: {  	_ =	swait.ge @!p0 [sflag:s0], s1  }
0x12a: {  	s1 =	ssub.s32 @!p0 $0x0, s1;
	[sflag:s0] =	ssyncset.done @!p0 $0x0  }
0x12b: {  	[sflag:s0] =	ssyncadd.s32 @!p0 s1  }
0x12c: {  	[bflag:$0x3] =	sbarrier.arrive $0xFFFF  }
0x12d: {  	_ =	shalt  }

</sc_bundles>
